<compile_context>
chip_gen: v7x
topology: tpu7x:2x2x1
jax: 0.10.2.dev20260603
libtpu: 0.0.44.dev20260713+nightly
codegen_flags: <defaults>
</compile_context>

<pallas_src>
import functools

import jax
import jax.numpy as jnp
from jax import lax
from jax.experimental import pallas as pl
from jax.experimental.pallas import tpu as pltpu
from jax.experimental.pallas import tpu_sc as plsc

N = 10000
C = 128
NG = 64
NW = 32
CHUNK = 104
NCH = 3
KPW = CHUNK * NCH
REM = N - NW * KPW
GPAD = 80


def _sc_body(emb_hbm, gidx_hbm, batch_hbm, out_hbm,
             gidx_v, bidx_v, rows_v, gidx_x, bidx_x, rows_x, zbuf_v, acc_sh,
             sem_sc, sem_x, sem_gi, sem_bi, *gsems):
    cid = lax.axis_index("c")
    sid = lax.axis_index("s")
    wid = sid * 2 + cid
    base = wid * KPW

    gload = pltpu.async_copy(gidx_hbm.at[pl.ds(base, KPW)], gidx_v, sem_gi)
    bload = pltpu.async_copy(batch_hbm.at[pl.ds(base, KPW)], bidx_v, sem_bi)
    for r in range(GPAD // 16):
        for k in range(C // 16):
            zbuf_v[r, pl.ds(k * 16, 16)] = jnp.zeros((16,), jnp.float32)
    pltpu.sync_copy(zbuf_v, acc_sh.at[pl.ds(sid * (GPAD // 16), GPAD // 16)])

    gload.wait()
    gathers = [
        pltpu.async_copy(emb_hbm.at[gidx_v.at[pl.ds(j * CHUNK, CHUNK)]],
                         rows_v.at[j], gsems[j])
        for j in range(NCH)
    ]
    bload.wait()
    plsc.subcore_barrier()

    @pl.when(wid == NW - 1)
    def _tail():
        tb = NW * KPW
        pltpu.sync_copy(gidx_hbm.at[pl.ds(tb, REM)], gidx_x)
        pltpu.sync_copy(batch_hbm.at[pl.ds(tb, REM)], bidx_x.at[0])
        pltpu.async_copy(emb_hbm.at[gidx_x], rows_x, sem_x).wait()
        pltpu.sync_copy(rows_x, acc_sh.at[bidx_x.at[0]], add=True)

    scatters = []
    for j in range(NCH):
        gathers[j].wait()
        scatters.append(pltpu.async_copy(
            rows_v.at[j], acc_sh.at[bidx_v.at[pl.ds(j * CHUNK, CHUNK)]],
            sem_sc, add=True))
    for d in scatters:
        d.wait()

    plsc.subcore_barrier()

    @pl.when(sid == 0)
    def _writeback():
        pltpu.sync_copy(acc_sh.at[pl.ds(0, NG)], out_hbm.at[cid])


@functools.cache
def _sc_segsum():
    mesh = plsc.VectorSubcoreMesh(core_axis_name="c", subcore_axis_name="s")
    return pl.kernel(
        _sc_body,
        out_type=jax.ShapeDtypeStruct((2, NG, C), jnp.float32),
        mesh=mesh,
        scratch_types=[
            pltpu.VMEM((KPW,), jnp.int32),
            pltpu.VMEM((KPW,), jnp.int32),
            pltpu.VMEM((NCH, CHUNK, C), jnp.float32),
            pltpu.VMEM((REM,), jnp.int32),
            pltpu.VMEM((1, REM), jnp.int32),
            pltpu.VMEM((REM, C), jnp.float32),
            pltpu.VMEM((GPAD // 16, C), jnp.float32),
            pltpu.VMEM_SHARED((GPAD, C), jnp.float32),
            pltpu.SemaphoreType.DMA,
            pltpu.SemaphoreType.DMA,
            pltpu.SemaphoreType.DMA,
            pltpu.SemaphoreType.DMA,
        ] + [pltpu.SemaphoreType.DMA] * NCH,
    )


def _tc_acts(batch_ref, actsT_ref, peWT_ref, peb_ref, out_ref):
    onehot = (batch_ref[...] == lax.broadcasted_iota(
        jnp.int32, (NG, N), 0)).astype(jnp.float32)
    segacts = lax.dot_general(onehot, actsT_ref[...],
                              (((1,), (1,)), ((), ())))
    counts = jnp.sum(onehot, axis=1, keepdims=True)
    out_ref[...] = lax.dot_general(segacts, peWT_ref[...],
                                   (((1,), (0,)), ((), ()))
                                   ) + counts * peb_ref[...]


def _tc_mlp(part_ref, act_ref, W1_ref, b1_ref, W2_ref, b2T_ref, out_ref):
    pooled = part_ref[0] + part_ref[1] + act_ref[...]
    h1 = lax.dot_general(pooled, W1_ref[...],
                         (((1,), (1,)), ((), ()))) + b1_ref[...]
    h1 = jnp.maximum(h1, 0.0)
    yT = lax.dot_general(W2_ref[...], h1,
                         (((1,), (1,)), ((), ()))) + b2T_ref[...]
    m = jnp.max(yT, axis=0, keepdims=True)
    lse = m + jnp.log(jnp.sum(jnp.exp(yT - m), axis=0, keepdims=True))
    out_ref[...] = yT - lse


def kernel(params, acts, sign, global_idx, edge_index, batch):
    p = params
    gidx32 = global_idx.astype(jnp.int32)
    batch32 = batch.astype(jnp.int32)

    act_part = pl.pallas_call(
        _tc_acts,
        out_shape=jax.ShapeDtypeStruct((NG, C), jnp.float32),
    )(batch32.reshape(1, N), acts.T, p['pe_W'].T, p['pe_b'].reshape(1, C))

    partials = _sc_segsum()(p['emb'], gidx32, batch32)

    outT = pl.pallas_call(
        _tc_mlp,
        out_shape=jax.ShapeDtypeStruct((2, NG), jnp.float32),
    )(partials, act_part, p['fc1_W'], p['fc1_b'].reshape(1, 2 * C),
      p['fc2_W'], p['fc2_b'].reshape(2, 1))
    return outT.T

# --- scband reference (transcript-rebuilt; emitter-appended) ---
"""Pipeline reference for scband-big-net-42288247996850 (READ-ONLY COPY).

The authoritative reference and input builder live on the scoring server;
editing this copy changes nothing except your own understanding.
"""

import jax, jax.numpy as jnp
import numpy as np

N = 10000
E = 320000
C = 128
V = 20000
NG = 64

def setup_inputs(seed: int = 0):
    key = jax.random.key(seed)
    ks = jax.random.split(key, 64)
    p = {}
    p['emb'] = jax.random.normal(ks[5], (V, C), jnp.float32) * 0.02
    p['pe_W'] = jax.random.normal(ks[6], (C, 2), jnp.float32) * 0.1
    p['pe_b'] = jnp.zeros((C,), jnp.float32)
    p['cg_Wf'] = jax.random.normal(ks[7], (C, 2 * C + 2), jnp.float32) * 0.05
    p['cg_bf'] = jnp.zeros((C,), jnp.float32)
    p['cg_Ws'] = jax.random.normal(ks[8], (C, 2 * C + 2), jnp.float32) * 0.05
    p['cg_bs'] = jnp.zeros((C,), jnp.float32)
    for l in range(4):
        p['gat%d_W' % l] = jax.random.normal(ks[9 + l], (C, C), jnp.float32) * 0.05
        p['gat%d_asrc' % l] = jax.random.normal(ks[13 + l], (C,), jnp.float32) * 0.1
        p['gat%d_adst' % l] = jax.random.normal(ks[17 + l], (C,), jnp.float32) * 0.1
        p['gat%d_b' % l] = jnp.zeros((C,), jnp.float32)
    for l in range(5):
        p['bn%d_g' % l] = jnp.ones((C,), jnp.float32)
        p['bn%d_b' % l] = jnp.zeros((C,), jnp.float32)
        p['prelu%d' % l] = jnp.array(0.25, jnp.float32)
    p['fc1_W'] = jax.random.normal(ks[21], (2 * C, C), jnp.float32) * 0.05
    p['fc1_b'] = jnp.zeros((2 * C,), jnp.float32)
    p['fc2_W'] = jax.random.normal(ks[22], (2, 2 * C), jnp.float32) * 0.05
    p['fc2_b'] = jnp.zeros((2,), jnp.float32)
    return {
        'params': p,
        'acts': jax.random.normal(ks[1], (N, 2), jnp.float32),
        'sign': jax.random.normal(ks[3], (E, 2), jnp.float32),
        'global_idx': jax.random.randint(ks[0], (N,), 0, V),
        'edge_index': jax.random.randint(ks[2], (2, E), 0, N),
        'batch': jnp.sort(jax.random.randint(ks[4], (N,), 0, NG)),
    }

def _bn(x, g, b):
    mu = jnp.mean(x, axis=0)
    var = jnp.var(x, axis=0)
    return g * (x - mu) / jnp.sqrt(var + 1e-5) + b

def _prelu(x, a):
    return jnp.where(x > 0, x, a * x)

def _gat(x, src, dst, W, asrc, adst, b, n):
    loop = jnp.arange(n)
    s = jnp.concatenate([src, loop])
    d = jnp.concatenate([dst, loop])
    h = x @ W.T
    al = jnp.sum(h * asrc[None, :], axis=-1)
    ar = jnp.sum(h * adst[None, :], axis=-1)
    e = jax.nn.leaky_relu(al[s] + ar[d], 0.2)
    mx = jax.ops.segment_max(e, d, num_segments=n)
    ex = jnp.exp(e - mx[d])
    den = jax.ops.segment_sum(ex, d, num_segments=n)
    alpha = ex / (den[d] + 1e-16)
    out = jax.ops.segment_sum(h[s] * alpha[:, None], d, num_segments=n)
    return out + b

def _forward(params, acts, sign, global_idx, edge_index, batch):
    p = params
    src = edge_index[0]
    dst = edge_index[1]
    x = p['emb'][global_idx]
    act = acts @ p['pe_W'].T + p['pe_b']
    x = x + act
    z = jnp.concatenate([x[dst], x[src], sign], axis=1)
    msg = jax.nn.sigmoid(z @ p['cg_Wf'].T + p['cg_bf']) * jax.nn.softplus(z @ p['cg_Ws'].T + p['cg_bs'])
    x1 = x + jax.ops.segment_sum(msg, dst, num_segments=N)
    x1 = _bn(x1, p['bn0_g'], p['bn0_b'])
    h = _prelu(x1 + x, p['prelu0'])
    for l in range(4):
        hl = _gat(h, src, dst, p['gat%d_W' % l], p['gat%d_asrc' % l], p['gat%d_adst' % l], p['gat%d_b' % l], N)
        hl = _bn(hl, p['bn%d_g' % (l + 1)], p['bn%d_b' % (l + 1)])
        h = _prelu(hl + h, p['prelu%d' % (l + 1)])
    pooled = jax.ops.segment_sum(x, batch, num_segments=NG)
    pooled = jnp.squeeze(pooled)
    y = jax.nn.relu(pooled @ p['fc1_W'].T + p['fc1_b'])
    y = y @ p['fc2_W'].T + p['fc2_b']
    return jax.nn.log_softmax(y, axis=-1)

def reference(params, acts, sign, global_idx, edge_index, batch):
    return _forward(params, acts, sign, global_idx, edge_index, batch)

if __name__ == "__main__":
    import jax
    _d = setup_inputs()
    print(jax.jit(kernel)(*tuple(_d.values())))

</pallas_src>

<mosaic_0001>
#map = affine_map<(d0, d1) -> (0, 0)>
#map1 = affine_map<(d0, d1) -> (0)>
#map2 = affine_map<(d0, d1) -> (0, 0, 0)>
module attributes {stable_mosaic.version = 14 : i64} {
  func.func @_sc_body(%arg0: i32, %arg1: i32, %arg2: memref<20000x128xf32, #tpu.memory_space<hbm>>, %arg3: memref<10000xi32, #tpu.memory_space<hbm>>, %arg4: memref<10000xi32, #tpu.memory_space<hbm>>, %arg5: memref<2x64x128xf32, #tpu.memory_space<hbm>>, %arg6: memref<312xi32, #tpu.memory_space<vmem>>, %arg7: memref<312xi32, #tpu.memory_space<vmem>>, %arg8: memref<3x104x128xf32, #tpu.memory_space<vmem>>, %arg9: memref<16xi32, #tpu.memory_space<vmem>>, %arg10: memref<1x16xi32, #tpu.memory_space<vmem>>, %arg11: memref<16x128xf32, #tpu.memory_space<vmem>>, %arg12: memref<5x128xf32, #tpu.memory_space<vmem>>, %arg13: memref<80x128xf32, #tpu.memory_space<vmem_shared>>, %arg14: memref<!tpu.dma_semaphore, #tpu.memory_space<semaphore_mem>>, %arg15: memref<!tpu.dma_semaphore, #tpu.memory_space<semaphore_mem>>, %arg16: memref<!tpu.dma_semaphore, #tpu.memory_space<semaphore_mem>>, %arg17: memref<!tpu.dma_semaphore, #tpu.memory_space<semaphore_mem>>, %arg18: memref<!tpu.dma_semaphore, #tpu.memory_space<semaphore_mem>>, %arg19: memref<!tpu.dma_semaphore, #tpu.memory_space<semaphore_mem>>, %arg20: memref<!tpu.dma_semaphore, #tpu.memory_space<semaphore_mem>>) attributes {dimension_semantics = [#tpu.dimension_semantics<core_parallel>, #tpu.dimension_semantics<subcore_parallel>], iteration_bounds = array<i64: 2, 16>, scalar_prefetch = 0 : i64, scratch_operands = 15 : i64, tpu.core_type = #tpu.core_type<sc_vector_subcore>, window_params = [{transform_indices = #map}, {transform_indices = #map1}, {transform_indices = #map1}, {transform_indices = #map2}]} {
    %mul3A = arith.constant 2 : i32
    %mul3A_0 = arith.muli %arg1, %mul3A : i32
    %add3A = arith.addi %mul3A_0, %arg0 : i32
    %mul3A_1 = arith.constant 312 : i32
    %mul3A_2 = arith.muli %add3A, %mul3A_1 : i32
    %dma_start3A = tpu.memref_slice %arg3[%mul3A_2] : memref<10000xi32, #tpu.memory_space<hbm>> -> memref<312xi32, #tpu.memory_space<hbm>>
    %dma_start3A_3 = tpu.memref_slice %arg3[%mul3A_2] : memref<10000xi32, #tpu.memory_space<hbm>> -> memref<312xi32, #tpu.memory_space<hbm>>
    tpu.enqueue_dma source(%dma_start3A_3 : memref<312xi32, #tpu.memory_space<hbm>>) target(%arg6 : memref<312xi32, #tpu.memory_space<vmem>>) target_semaphore(%arg16 : memref<!tpu.dma_semaphore, #tpu.memory_space<semaphore_mem>>)
    %dma_start3A_4 = tpu.memref_slice %arg4[%mul3A_2] : memref<10000xi32, #tpu.memory_space<hbm>> -> memref<312xi32, #tpu.memory_space<hbm>>
    %dma_start3A_5 = tpu.memref_slice %arg4[%mul3A_2] : memref<10000xi32, #tpu.memory_space<hbm>> -> memref<312xi32, #tpu.memory_space<hbm>>
    tpu.enqueue_dma source(%dma_start3A_5 : memref<312xi32, #tpu.memory_space<hbm>>) target(%arg7 : memref<312xi32, #tpu.memory_space<vmem>>) target_semaphore(%arg17 : memref<!tpu.dma_semaphore, #tpu.memory_space<semaphore_mem>>)
    %broadcast_in_dim3A = arith.constant 0.000000e+00 : f32
    %broadcast_in_dim3A_6 = vector.broadcast %broadcast_in_dim3A : f32 to vector<16xf32>
    %swap3A = arith.constant 0 : i32
    %swap3A_7 = arith.index_cast %swap3A : i32 to index
    %swap3A_8 = arith.constant 0 : index
    %swap3A_9 = tpu.vector_load %arg12[%swap3A_7, %swap3A_8] {strides = array<i32>} : memref<5x128xf32, #tpu.memory_space<vmem>>, vector<1x16xf32>,
    %swap3A_10 = vector.shape_cast %swap3A_9 : vector<1x16xf32> to vector<16xf32>
    %swap3A_11 = vector.shape_cast %broadcast_in_dim3A_6 : vector<16xf32> to vector<1x16xf32>
    tpu.vector_store %arg12[%swap3A_7, %swap3A_8], %swap3A_11 {strides = array<i32>} : memref<5x128xf32, #tpu.memory_space<vmem>>, vector<1x16xf32>,
    %broadcast_in_dim3A_12 = arith.constant 0.000000e+00 : f32
    %broadcast_in_dim3A_13 = vector.broadcast %broadcast_in_dim3A_12 : f32 to vector<16xf32>
    %swap3A_14 = arith.constant 0 : i32
    %swap3A_15 = arith.index_cast %swap3A_14 : i32 to index
    %swap3A_16 = arith.constant 16 : index
    %swap3A_17 = tpu.vector_load %arg12[%swap3A_15, %swap3A_16] {strides = array<i32>} : memref<5x128xf32, #tpu.memory_space<vmem>>, vector<1x16xf32>,
    %swap3A_18 = vector.shape_cast %swap3A_17 : vector<1x16xf32> to vector<16xf32>
    %swap3A_19 = vector.shape_cast %broadcast_in_dim3A_13 : vector<16xf32> to vector<1x16xf32>
    tpu.vector_store %arg12[%swap3A_15, %swap3A_16], %swap3A_19 {strides = array<i32>} : memref<5x128xf32, #tpu.memory_space<vmem>>, vector<1x16xf32>,
    %broadcast_in_dim3A_20 = arith.constant 0.000000e+00 : f32
    %broadcast_in_dim3A_21 = vector.broadcast %broadcast_in_dim3A_20 : f32 to vector<16xf32>
    %swap3A_22 = arith.constant 0 : i32
    %swap3A_23 = arith.index_cast %swap3A_22 : i32 to index
    %swap3A_24 = arith.constant 32 : index
    %swap3A_25 = tpu.vector_load %arg12[%swap3A_23, %swap3A_24] {strides = array<i32>} : memref<5x128xf32, #tpu.memory_space<vmem>>, vector<1x16xf32>,
    %swap3A_26 = vector.shape_cast %swap3A_25 : vector<1x16xf32> to vector<16xf32>
    %swap3A_27 = vector.shape_cast %broadcast_in_dim3A_21 : vector<16xf32> to vector<1x16xf32>
    tpu.vector_store %arg12[%swap3A_23, %swap3A_24], %swap3A_27 {strides = array<i32>} : memref<5x128xf32, #tpu.memory_space<vmem>>, vector<1x16xf32>,
    %broadcast_in_dim3A_28 = arith.constant 0.000000e+00 : f32
    %broadcast_in_dim3A_29 = vector.broadcast %broadcast_in_dim3A_28 : f32 to vector<16xf32>
    %swap3A_30 = arith.constant 0 : i32
    %swap3A_31 = arith.index_cast %swap3A_30 : i32 to index
    %swap3A_32 = arith.constant 48 : index
    %swap3A_33 = tpu.vector_load %arg12[%swap3A_31, %swap3A_32] {strides = array<i32>} : memref<5x128xf32, #tpu.memory_space<vmem>>, vector<1x16xf32>,
    %swap3A_34 = vector.shape_cast %swap3A_33 : vector<1x16xf32> to vector<16xf32>
    %swap3A_35 = vector.shape_cast %broadcast_in_dim3A_29 : vector<16xf32> to vector<1x16xf32>
    tpu.vector_store %arg12[%swap3A_31, %swap3A_32], %swap3A_35 {strides = array<i32>} : memref<5x128xf32, #tpu.memory_space<vmem>>, vector<1x16xf32>,
    %broadcast_in_dim3A_36 = arith.constant 0.000000e+00 : f32
    %broadcast_in_dim3A_37 = vector.broadcast %broadcast_in_dim3A_36 : f32 to vector<16xf32>
    %swap3A_38 = arith.constant 0 : i32
    %swap3A_39 = arith.index_cast %swap3A_38 : i32 to index
    %swap3A_40 = arith.constant 64 : index
    %swap3A_41 = tpu.vector_load %arg12[%swap3A_39, %swap3A_40] {strides = array<i32>} : memref<5x128xf32, #tpu.memory_space<vmem>>, vector<1x16xf32>,
    %swap3A_42 = vector.shape_cast %swap3A_41 : vector<1x16xf32> to vector<16xf32>
    %swap3A_43 = vector.shape_cast %broadcast_in_dim3A_37 : vector<16xf32> to vector<1x16xf32>
    tpu.vector_store %arg12[%swap3A_39, %swap3A_40], %swap3A_43 {strides = array<i32>} : memref<5x128xf32, #tpu.memory_space<vmem>>, vector<1x16xf32>,
    %broadcast_in_dim3A_44 = arith.constant 0.000000e+00 : f32
    %broadcast_in_dim3A_45 = vector.broadcast %broadcast_in_dim3A_44 : f32 to vector<16xf32>
    %swap3A_46 = arith.constant 0 : i32
    %swap3A_47 = arith.index_cast %swap3A_46 : i32 to index
    %swap3A_48 = arith.constant 80 : index
    %swap3A_49 = tpu.vector_load %arg12[%swap3A_47, %swap3A_48] {strides = array<i32>} : memref<5x128xf32, #tpu.memory_space<vmem>>, vector<1x16xf32>,
    %swap3A_50 = vector.shape_cast %swap3A_49 : vector<1x16xf32> to vector<16xf32>
    %swap3A_51 = vector.shape_cast %broadcast_in_dim3A_45 : vector<16xf32> to vector<1x16xf32>
    tpu.vector_store %arg12[%swap3A_47, %swap3A_48], %swap3A_51 {strides = array<i32>} : memref<5x128xf32, #tpu.memory_space<vmem>>, vector<1x16xf32>,
    %broadcast_in_dim3A_52 = arith.constant 0.000000e+00 : f32
    %broadcast_in_dim3A_53 = vector.broadcast %broadcast_in_dim3A_52 : f32 to vector<16xf32>
    %swap3A_54 = arith.constant 0 : i32
    %swap3A_55 = arith.index_cast %swap3A_54 : i32 to index
    %swap3A_56 = arith.constant 96 : index
    %swap3A_57 = tpu.vector_load %arg12[%swap3A_55, %swap3A_56] {strides = array<i32>} : memref<5x128xf32, #tpu.memory_space<vmem>>, vector<1x16xf32>,
    %swap3A_58 = vector.shape_cast %swap3A_57 : vector<1x16xf32> to vector<16xf32>
    %swap3A_59 = vector.shape_cast %broadcast_in_dim3A_53 : vector<16xf32> to vector<1x16xf32>
    tpu.vector_store %arg12[%swap3A_55, %swap3A_56], %swap3A_59 {strides = array<i32>} : memref<5x128xf32, #tpu.memory_space<vmem>>, vector<1x16xf32>,
    %broadcast_in_dim3A_60 = arith.constant 0.000000e+00 : f32
    %broadcast_in_dim3A_61 = vector.broadcast %broadcast_in_dim3A_60 : f32 to vector<16xf32>
    %swap3A_62 = arith.constant 0 : i32
    %swap3A_63 = arith.index_cast %swap3A_62 : i32 to index
    %swap3A_64 = arith.constant 112 : index
    %swap3A_65 = tpu.vector_load %arg12[%swap3A_63, %swap3A_64] {strides = array<i32>} : memref<5x128xf32, #tpu.memory_space<vmem>>, vector<1x16xf32>,
    %swap3A_66 = vector.shape_cast %swap3A_65 : vector<1x16xf32> to vector<16xf32>
    %swap3A_67 = vector.shape_cast %broadcast_in_dim3A_61 : vector<16xf32> to vector<1x16xf32>
    tpu.vector_store %arg12[%swap3A_63, %swap3A_64], %swap3A_67 {strides = array<i32>} : memref<5x128xf32, #tpu.memory_space<vmem>>, vector<1x16xf32>,
    %broadcast_in_dim3A_68 = arith.constant 0.000000e+00 : f32
    %broadcast_in_dim3A_69 = vector.broadcast %broadcast_in_dim3A_68 : f32 to vector<16xf32>
    %swap3A_70 = arith.constant 1 : i32
    %swap3A_71 = arith.index_cast %swap3A_70 : i32 to index
    %swap3A_72 = arith.constant 0 : index
    %swap3A_73 = tpu.vector_load %arg12[%swap3A_71, %swap3A_72] {strides = array<i32>} : memref<5x128xf32, #tpu.memory_space<vmem>>, vector<1x16xf32>,
    %swap3A_74 = vector.shape_cast %swap3A_73 : vector<1x16xf32> to vector<16xf32>
    %swap3A_75 = vector.shape_cast %broadcast_in_dim3A_69 : vector<16xf32> to vector<1x16xf32>
    tpu.vector_store %arg12[%swap3A_71, %swap3A_72], %swap3A_75 {strides = array<i32>} : memref<5x128xf32, #tpu.memory_space<vmem>>, vector<1x16xf32>,
    %broadcast_in_dim3A_76 = arith.constant 0.000000e+00 : f32
    %broadcast_in_dim3A_77 = vector.broadcast %broadcast_in_dim3A_76 : f32 to vector<16xf32>
    %swap3A_78 = arith.constant 1 : i32
    %swap3A_79 = arith.index_cast %swap3A_78 : i32 to index
    %swap3A_80 = arith.constant 16 : index
    %swap3A_81 = tpu.vector_load %arg12[%swap3A_79, %swap3A_80] {strides = array<i32>} : memref<5x128xf32, #tpu.memory_space<vmem>>, vector<1x16xf32>,
    %swap3A_82 = vector.shape_cast %swap3A_81 : vector<1x16xf32> to vector<16xf32>
    %swap3A_83 = vector.shape_cast %broadcast_in_dim3A_77 : vector<16xf32> to vector<1x16xf32>
    tpu.vector_store %arg12[%swap3A_79, %swap3A_80], %swap3A_83 {strides = array<i32>} : memref<5x128xf32, #tpu.memory_space<vmem>>, vector<1x16xf32>,
    %broadcast_in_dim3A_84 = arith.constant 0.000000e+00 : f32
    %broadcast_in_dim3A_85 = vector.broadcast %broadcast_in_dim3A_84 : f32 to vector<16xf32>
    %swap3A_86 = arith.constant 1 : i32
    %swap3A_87 = arith.index_cast %swap3A_86 : i32 to index
    %swap3A_88 = arith.constant 32 : index
    %swap3A_89 = tpu.vector_load %arg12[%swap3A_87, %swap3A_88] {strides = array<i32>} : memref<5x128xf32, #tpu.memory_space<vmem>>, vector<1x16xf32>,
    %swap3A_90 = vector.shape_cast %swap3A_89 : vector<1x16xf32> to vector<16xf32>
    %swap3A_91 = vector.shape_cast %broadcast_in_dim3A_85 : vector<16xf32> to vector<1x16xf32>
    tpu.vector_store %arg12[%swap3A_87, %swap3A_88], %swap3A_91 {strides = array<i32>} : memref<5x128xf32, #tpu.memory_space<vmem>>, vector<1x16xf32>,
    %broadcast_in_dim3A_92 = arith.constant 0.000000e+00 : f32
    %broadcast_in_dim3A_93 = vector.broadcast %broadcast_in_dim3A_92 : f32 to vector<16xf32>
    %swap3A_94 = arith.constant 1 : i32
    %swap3A_95 = arith.index_cast %swap3A_94 : i32 to index
    %swap3A_96 = arith.constant 48 : index
    %swap3A_97 = tpu.vector_load %arg12[%swap3A_95, %swap3A_96] {strides = array<i32>} : memref<5x128xf32, #tpu.memory_space<vmem>>, vector<1x16xf32>,
    %swap3A_98 = vector.shape_cast %swap3A_97 : vector<1x16xf32> to vector<16xf32>
    %swap3A_99 = vector.shape_cast %broadcast_in_dim3A_93 : vector<16xf32> to vector<1x16xf32>
    tpu.vector_store %arg12[%swap3A_95, %swap3A_96], %swap3A_99 {strides = array<i32>} : memref<5x128xf32, #tpu.memory_space<vmem>>, vector<1x16xf32>,
    %broadcast_in_dim3A_100 = arith.constant 0.000000e+00 : f32
    %broadcast_in_dim3A_101 = vector.broadcast %broadcast_in_dim3A_100 : f32 to vector<16xf32>
    %swap3A_102 = arith.constant 1 : i32
    %swap3A_103 = arith.index_cast %swap3A_102 : i32 to index
    %swap3A_104 = arith.constant 64 : index
    %swap3A_105 = tpu.vector_load %arg12[%swap3A_103, %swap3A_104] {strides = array<i32>} : memref<5x128xf32, #tpu.memory_space<vmem>>, vector<1x16xf32>,
    %swap3A_106 = vector.shape_cast %swap3A_105 : vector<1x16xf32> to vector<16xf32>
    %swap3A_107 = vector.shape_cast %broadcast_in_dim3A_101 : vector<16xf32> to vector<1x16xf32>
    tpu.vector_store %arg12[%swap3A_103, %swap3A_104], %swap3A_107 {strides = array<i32>} : memref<5x128xf32, #tpu.memory_space<vmem>>, vector<1x16xf32>,
    %broadcast_in_dim3A_108 = arith.constant 0.000000e+00 : f32
    %broadcast_in_dim3A_109 = vector.broadcast %broadcast_in_dim3A_108 : f32 to vector<16xf32>
    %swap3A_110 = arith.constant 1 : i32
    %swap3A_111 = arith.index_cast %swap3A_110 : i32 to index
    %swap3A_112 = arith.constant 80 : index
    %swap3A_113 = tpu.vector_load %arg12[%swap3A_111, %swap3A_112] {strides = array<i32>} : memref<5x128xf32, #tpu.memory_space<vmem>>, vector<1x16xf32>,
    %swap3A_114 = vector.shape_cast %swap3A_113 : vector<1x16xf32> to vector<16xf32>
    %swap3A_115 = vector.shape_cast %broadcast_in_dim3A_109 : vector<16xf32> to vector<1x16xf32>
    tpu.vector_store %arg12[%swap3A_111, %swap3A_112], %swap3A_115 {strides = array<i32>} : memref<5x128xf32, #tpu.memory_space<vmem>>, vector<1x16xf32>,
    %broadcast_in_dim3A_116 = arith.constant 0.000000e+00 : f32
    %broadcast_in_dim3A_117 = vector.broadcast %broadcast_in_dim3A_116 : f32 to vector<16xf32>
    %swap3A_118 = arith.constant 1 : i32
    %swap3A_119 = arith.index_cast %swap3A_118 : i32 to index
    %swap3A_120 = arith.constant 96 : index
    %swap3A_121 = tpu.vector_load %arg12[%swap3A_119, %swap3A_120] {strides = array<i32>} : memref<5x128xf32, #tpu.memory_space<vmem>>, vector<1x16xf32>,
    %swap3A_122 = vector.shape_cast %swap3A_121 : vector<1x16xf32> to vector<16xf32>
    %swap3A_123 = vector.shape_cast %broadcast_in_dim3A_117 : vector<16xf32> to vector<1x16xf32>
    tpu.vector_store %arg12[%swap3A_119, %swap3A_120], %swap3A_123 {strides = array<i32>} : memref<5x128xf32, #tpu.memory_space<vmem>>, vector<1x16xf32>,
    %broadcast_in_dim3A_124 = arith.constant 0.000000e+00 : f32
    %broadcast_in_dim3A_125 = vector.broadcast %broadcast_in_dim3A_124 : f32 to vector<16xf32>
    %swap3A_126 = arith.constant 1 : i32
    %swap3A_127 = arith.index_cast %swap3A_126 : i32 to index
    %swap3A_128 = arith.constant 112 : index
    %swap3A_129 = tpu.vector_load %arg12[%swap3A_127, %swap3A_128] {strides = array<i32>} : memref<5x128xf32, #tpu.memory_space<vmem>>, vector<1x16xf32>,
    %swap3A_130 = vector.shape_cast %swap3A_129 : vector<1x16xf32> to vector<16xf32>
    %swap3A_131 = vector.shape_cast %broadcast_in_dim3A_125 : vector<16xf32> to vector<1x16xf32>
    tpu.vector_store %arg12[%swap3A_127, %swap3A_128], %swap3A_131 {strides = array<i32>} : memref<5x128xf32, #tpu.memory_space<vmem>>, vector<1x16xf32>,
    %broadcast_in_dim3A_132 = arith.constant 0.000000e+00 : f32
    %broadcast_in_dim3A_133 = vector.broadcast %broadcast_in_dim3A_132 : f32 to vector<16xf32>
    %swap3A_134 = arith.constant 2 : i32
    %swap3A_135 = arith.index_cast %swap3A_134 : i32 to index
    %swap3A_136 = arith.constant 0 : index
    %swap3A_137 = tpu.vector_load %arg12[%swap3A_135, %swap3A_136] {strides = array<i32>} : memref<5x128xf32, #tpu.memory_space<vmem>>, vector<1x16xf32>,
    %swap3A_138 = vector.shape_cast %swap3A_137 : vector<1x16xf32> to vector<16xf32>
    %swap3A_139 = vector.shape_cast %broadcast_in_dim3A_133 : vector<16xf32> to vector<1x16xf32>
    tpu.vector_store %arg12[%swap3A_135, %swap3A_136], %swap3A_139 {strides = array<i32>} : memref<5x128xf32, #tpu.memory_space<vmem>>, vector<1x16xf32>,
    %broadcast_in_dim3A_140 = arith.constant 0.000000e+00 : f32
    %broadcast_in_dim3A_141 = vector.broadcast %broadcast_in_dim3A_140 : f32 to vector<16xf32>
    %swap3A_142 = arith.constant 2 : i32
    %swap3A_143 = arith.index_cast %swap3A_142 : i32 to index
    %swap3A_144 = arith.constant 16 : index
    %swap3A_145 = tpu.vector_load %arg12[%swap3A_143, %swap3A_144] {strides = array<i32>} : memref<5x128xf32, #tpu.memory_space<vmem>>, vector<1x16xf32>,
    %swap3A_146 = vector.shape_cast %swap3A_145 : vector<1x16xf32> to vector<16xf32>
    %swap3A_147 = vector.shape_cast %broadcast_in_dim3A_141 : vector<16xf32> to vector<1x16xf32>
    tpu.vector_store %arg12[%swap3A_143, %swap3A_144], %swap3A_147 {strides = array<i32>} : memref<5x128xf32, #tpu.memory_space<vmem>>, vector<1x16xf32>,
    %broadcast_in_dim3A_148 = arith.constant 0.000000e+00 : f32
    %broadcast_in_dim3A_149 = vector.broadcast %broadcast_in_dim3A_148 : f32 to vector<16xf32>
    %swap3A_150 = arith.constant 2 : i32
    %swap3A_151 = arith.index_cast %swap3A_150 : i32 to index
    %swap3A_152 = arith.constant 32 : index
    %swap3A_153 = tpu.vector_load %arg12[%swap3A_151, %swap3A_152] {strides = array<i32>} : memref<5x128xf32, #tpu.memory_space<vmem>>, vector<1x16xf32>,
    %swap3A_154 = vector.shape_cast %swap3A_153 : vector<1x16xf32> to vector<16xf32>
    %swap3A_155 = vector.shape_cast %broadcast_in_dim3A_149 : vector<16xf32> to vector<1x16xf32>
    tpu.vector_store %arg12[%swap3A_151, %swap3A_152], %swap3A_155 {strides = array<i32>} : memref<5x128xf32, #tpu.memory_space<vmem>>, vector<1x16xf32>,
    %broadcast_in_dim3A_156 = arith.constant 0.000000e+00 : f32
    %broadcast_in_dim3A_157 = vector.broadcast %broadcast_in_dim3A_156 : f32 to vector<16xf32>
    %swap3A_158 = arith.constant 2 : i32
    %swap3A_159 = arith.index_cast %swap3A_158 : i32 to index
    %swap3A_160 = arith.constant 48 : index
    %swap3A_161 = tpu.vector_load %arg12[%swap3A_159, %swap3A_160] {strides = array<i32>} : memref<5x128xf32, #tpu.memory_space<vmem>>, vector<1x16xf32>,
    %swap3A_162 = vector.shape_cast %swap3A_161 : vector<1x16xf32> to vector<16xf32>
    %swap3A_163 = vector.shape_cast %broadcast_in_dim3A_157 : vector<16xf32> to vector<1x16xf32>
    tpu.vector_store %arg12[%swap3A_159, %swap3A_160], %swap3A_163 {strides = array<i32>} : memref<5x128xf32, #tpu.memory_space<vmem>>, vector<1x16xf32>,
    %broadcast_in_dim3A_164 = arith.constant 0.000000e+00 : f32
    %broadcast_in_dim3A_165 = vector.broadcast %broadcast_in_dim3A_164 : f32 to vector<16xf32>
    %swap3A_166 = arith.constant 2 : i32
    %swap3A_167 = arith.index_cast %swap3A_166 : i32 to index
    %swap3A_168 = arith.constant 64 : index
    %swap3A_169 = tpu.vector_load %arg12[%swap3A_167, %swap3A_168] {strides = array<i32>} : memref<5x128xf32, #tpu.memory_space<vmem>>, vector<1x16xf32>,
    %swap3A_170 = vector.shape_cast %swap3A_169 : vector<1x16xf32> to vector<16xf32>
    %swap3A_171 = vector.shape_cast %broadcast_in_dim3A_165 : vector<16xf32> to vector<1x16xf32>
    tpu.vector_store %arg12[%swap3A_167, %swap3A_168], %swap3A_171 {strides = array<i32>} : memref<5x128xf32, #tpu.memory_space<vmem>>, vector<1x16xf32>,
    %broadcast_in_dim3A_172 = arith.constant 0.000000e+00 : f32
    %broadcast_in_dim3A_173 = vector.broadcast %broadcast_in_dim3A_172 : f32 to vector<16xf32>
    %swap3A_174 = arith.constant 2 : i32
    %swap3A_175 = arith.index_cast %swap3A_174 : i32 to index
    %swap3A_176 = arith.constant 80 : index
    %swap3A_177 = tpu.vector_load %arg12[%swap3A_175, %swap3A_176] {strides = array<i32>} : memref<5x128xf32, #tpu.memory_space<vmem>>, vector<1x16xf32>,
    %swap3A_178 = vector.shape_cast %swap3A_177 : vector<1x16xf32> to vector<16xf32>
    %swap3A_179 = vector.shape_cast %broadcast_in_dim3A_173 : vector<16xf32> to vector<1x16xf32>
    tpu.vector_store %arg12[%swap3A_175, %swap3A_176], %swap3A_179 {strides = array<i32>} : memref<5x128xf32, #tpu.memory_space<vmem>>, vector<1x16xf32>,
    %broadcast_in_dim3A_180 = arith.constant 0.000000e+00 : f32
    %broadcast_in_dim3A_181 = vector.broadcast %broadcast_in_dim3A_180 : f32 to vector<16xf32>
    %swap3A_182 = arith.constant 2 : i32
    %swap3A_183 = arith.index_cast %swap3A_182 : i32 to index
    %swap3A_184 = arith.constant 96 : index
    %swap3A_185 = tpu.vector_load %arg12[%swap3A_183, %swap3A_184] {strides = array<i32>} : memref<5x128xf32, #tpu.memory_space<vmem>>, vector<1x16xf32>,
    %swap3A_186 = vector.shape_cast %swap3A_185 : vector<1x16xf32> to vector<16xf32>
    %swap3A_187 = vector.shape_cast %broadcast_in_dim3A_181 : vector<16xf32> to vector<1x16xf32>
    tpu.vector_store %arg12[%swap3A_183, %swap3A_184], %swap3A_187 {strides = array<i32>} : memref<5x128xf32, #tpu.memory_space<vmem>>, vector<1x16xf32>,
    %broadcast_in_dim3A_188 = arith.constant 0.000000e+00 : f32
    %broadcast_in_dim3A_189 = vector.broadcast %broadcast_in_dim3A_188 : f32 to vector<16xf32>
    %swap3A_190 = arith.constant 2 : i32
    %swap3A_191 = arith.index_cast %swap3A_190 : i32 to index
    %swap3A_192 = arith.constant 112 : index
    %swap3A_193 = tpu.vector_load %arg12[%swap3A_191, %swap3A_192] {strides = array<i32>} : memref<5x128xf32, #tpu.memory_space<vmem>>, vector<1x16xf32>,
    %swap3A_194 = vector.shape_cast %swap3A_193 : vector<1x16xf32> to vector<16xf32>
    %swap3A_195 = vector.shape_cast %broadcast_in_dim3A_189 : vector<16xf32> to vector<1x16xf32>
    tpu.vector_store %arg12[%swap3A_191, %swap3A_192], %swap3A_195 {strides = array<i32>} : memref<5x128xf32, #tpu.memory_space<vmem>>, vector<1x16xf32>,
    %broadcast_in_dim3A_196 = arith.constant 0.000000e+00 : f32
    %broadcast_in_dim3A_197 = vector.broadcast %broadcast_in_dim3A_196 : f32 to vector<16xf32>
    %swap3A_198 = arith.constant 3 : i32
    %swap3A_199 = arith.index_cast %swap3A_198 : i32 to index
    %swap3A_200 = arith.constant 0 : index
    %swap3A_201 = tpu.vector_load %arg12[%swap3A_199, %swap3A_200] {strides = array<i32>} : memref<5x128xf32, #tpu.memory_space<vmem>>, vector<1x16xf32>,
    %swap3A_202 = vector.shape_cast %swap3A_201 : vector<1x16xf32> to vector<16xf32>
    %swap3A_203 = vector.shape_cast %broadcast_in_dim3A_197 : vector<16xf32> to vector<1x16xf32>
    tpu.vector_store %arg12[%swap3A_199, %swap3A_200], %swap3A_203 {strides = array<i32>} : memref<5x128xf32, #tpu.memory_space<vmem>>, vector<1x16xf32>,
    %broadcast_in_dim3A_204 = arith.constant 0.000000e+00 : f32
    %broadcast_in_dim3A_205 = vector.broadcast %broadcast_in_dim3A_204 : f32 to vector<16xf32>
    %swap3A_206 = arith.constant 3 : i32
    %swap3A_207 = arith.index_cast %swap3A_206 : i32 to index
    %swap3A_208 = arith.constant 16 : index
    %swap3A_209 = tpu.vector_load %arg12[%swap3A_207, %swap3A_208] {strides = array<i32>} : memref<5x128xf32, #tpu.memory_space<vmem>>, vector<1x16xf32>,
    %swap3A_210 = vector.shape_cast %swap3A_209 : vector<1x16xf32> to vector<16xf32>
    %swap3A_211 = vector.shape_cast %broadcast_in_dim3A_205 : vector<16xf32> to vector<1x16xf32>
    tpu.vector_store %arg12[%swap3A_207, %swap3A_208], %swap3A_211 {strides = array<i32>} : memref<5x128xf32, #tpu.memory_space<vmem>>, vector<1x16xf32>,
    %broadcast_in_dim3A_212 = arith.constant 0.000000e+00 : f32
    %broadcast_in_dim3A_213 = vector.broadcast %broadcast_in_dim3A_212 : f32 to vector<16xf32>
    %swap3A_214 = arith.constant 3 : i32
    %swap3A_215 = arith.index_cast %swap3A_214 : i32 to index
    %swap3A_216 = arith.constant 32 : index
    %swap3A_217 = tpu.vector_load %arg12[%swap3A_215, %swap3A_216] {strides = array<i32>} : memref<5x128xf32, #tpu.memory_space<vmem>>, vector<1x16xf32>,
    %swap3A_218 = vector.shape_cast %swap3A_217 : vector<1x16xf32> to vector<16xf32>
    %swap3A_219 = vector.shape_cast %broadcast_in_dim3A_213 : vector<16xf32> to vector<1x16xf32>
    tpu.vector_store %arg12[%swap3A_215, %swap3A_216], %swap3A_219 {strides = array<i32>} : memref<5x128xf32, #tpu.memory_space<vmem>>, vector<1x16xf32>,
    %broadcast_in_dim3A_220 = arith.constant 0.000000e+00 : f32
    %broadcast_in_dim3A_221 = vector.broadcast %broadcast_in_dim3A_220 : f32 to vector<16xf32>
    %swap3A_222 = arith.constant 3 : i32
    %swap3A_223 = arith.index_cast %swap3A_222 : i32 to index
    %swap3A_224 = arith.constant 48 : index
    %swap3A_225 = tpu.vector_load %arg12[%swap3A_223, %swap3A_224] {strides = array<i32>} : memref<5x128xf32, #tpu.memory_space<vmem>>, vector<1x16xf32>,
    %swap3A_226 = vector.shape_cast %swap3A_225 : vector<1x16xf32> to vector<16xf32>
    %swap3A_227 = vector.shape_cast %broadcast_in_dim3A_221 : vector<16xf32> to vector<1x16xf32>
    tpu.vector_store %arg12[%swap3A_223, %swap3A_224], %swap3A_227 {strides = array<i32>} : memref<5x128xf32, #tpu.memory_space<vmem>>, vector<1x16xf32>,
    %broadcast_in_dim3A_228 = arith.constant 0.000000e+00 : f32
    %broadcast_in_dim3A_229 = vector.broadcast %broadcast_in_dim3A_228 : f32 to vector<16xf32>
    %swap3A_230 = arith.constant 3 : i32
    %swap3A_231 = arith.index_cast %swap3A_230 : i32 to index
    %swap3A_232 = arith.constant 64 : index
    %swap3A_233 = tpu.vector_load %arg12[%swap3A_231, %swap3A_232] {strides = array<i32>} : memref<5x128xf32, #tpu.memory_space<vmem>>, vector<1x16xf32>,
    %swap3A_234 = vector.shape_cast %swap3A_233 : vector<1x16xf32> to vector<16xf32>
    %swap3A_235 = vector.shape_cast %broadcast_in_dim3A_229 : vector<16xf32> to vector<1x16xf32>
    tpu.vector_store %arg12[%swap3A_231, %swap3A_232], %swap3A_235 {strides = array<i32>} : memref<5x128xf32, #tpu.memory_space<vmem>>, vector<1x16xf32>,
    %broadcast_in_dim3A_236 = arith.constant 0.000000e+00 : f32
    %broadcast_in_dim3A_237 = vector.broadcast %broadcast_in_dim3A_236 : f32 to vector<16xf32>
    %swap3A_238 = arith.constant 3 : i32
    %swap3A_239 = arith.index_cast %swap3A_238 : i32 to index
    %swap3A_240 = arith.constant 80 : index
    %swap3A_241 = tpu.vector_load %arg12[%swap3A_239, %swap3A_240] {strides = array<i32>} : memref<5x128xf32, #tpu.memory_space<vmem>>, vector<1x16xf32>,
    %swap3A_242 = vector.shape_cast %swap3A_241 : vector<1x16xf32> to vector<16xf32>
    %swap3A_243 = vector.shape_cast %broadcast_in_dim3A_237 : vector<16xf32> to vector<1x16xf32>
    tpu.vector_store %arg12[%swap3A_239, %swap3A_240], %swap3A_243 {strides = array<i32>} : memref<5x128xf32, #tpu.memory_space<vmem>>, vector<1x16xf32>,
    %broadcast_in_dim3A_244 = arith.constant 0.000000e+00 : f32
    %broadcast_in_dim3A_245 = vector.broadcast %broadcast_in_dim3A_244 : f32 to vector<16xf32>
    %swap3A_246 = arith.constant 3 : i32
    %swap3A_247 = arith.index_cast %swap3A_246 : i32 to index
    %swap3A_248 = arith.constant 96 : index
    %swap3A_249 = tpu.vector_load %arg12[%swap3A_247, %swap3A_248] {strides = array<i32>} : memref<5x128xf32, #tpu.memory_space<vmem>>, vector<1x16xf32>,
    %swap3A_250 = vector.shape_cast %swap3A_249 : vector<1x16xf32> to vector<16xf32>
    %swap3A_251 = vector.shape_cast %broadcast_in_dim3A_245 : vector<16xf32> to vector<1x16xf32>
    tpu.vector_store %arg12[%swap3A_247, %swap3A_248], %swap3A_251 {strides = array<i32>} : memref<5x128xf32, #tpu.memory_space<vmem>>, vector<1x16xf32>,
    %broadcast_in_dim3A_252 = arith.constant 0.000000e+00 : f32
    %broadcast_in_dim3A_253 = vector.broadcast %broadcast_in_dim3A_252 : f32 to vector<16xf32>
    %swap3A_254 = arith.constant 3 : i32
    %swap3A_255 = arith.index_cast %swap3A_254 : i32 to index
    %swap3A_256 = arith.constant 112 : index
    %swap3A_257 = tpu.vector_load %arg12[%swap3A_255, %swap3A_256] {strides = array<i32>} : memref<5x128xf32, #tpu.memory_space<vmem>>, vector<1x16xf32>,
    %swap3A_258 = vector.shape_cast %swap3A_257 : vector<1x16xf32> to vector<16xf32>
    %swap3A_259 = vector.shape_cast %broadcast_in_dim3A_253 : vector<16xf32> to vector<1x16xf32>
    tpu.vector_store %arg12[%swap3A_255, %swap3A_256], %swap3A_259 {strides = array<i32>} : memref<5x128xf32, #tpu.memory_space<vmem>>, vector<1x16xf32>,
    %broadcast_in_dim3A_260 = arith.constant 0.000000e+00 : f32
    %broadcast_in_dim3A_261 = vector.broadcast %broadcast_in_dim3A_260 : f32 to vector<16xf32>
    %swap3A_262 = arith.constant 4 : i32
    %swap3A_263 = arith.index_cast %swap3A_262 : i32 to index
    %swap3A_264 = arith.constant 0 : index
    %swap3A_265 = tpu.vector_load %arg12[%swap3A_263, %swap3A_264] {strides = array<i32>} : memref<5x128xf32, #tpu.memory_space<vmem>>, vector<1x16xf32>,
    %swap3A_266 = vector.shape_cast %swap3A_265 : vector<1x16xf32> to vector<16xf32>
    %swap3A_267 = vector.shape_cast %broadcast_in_dim3A_261 : vector<16xf32> to vector<1x16xf32>
    tpu.vector_store %arg12[%swap3A_263, %swap3A_264], %swap3A_267 {strides = array<i32>} : memref<5x128xf32, #tpu.memory_space<vmem>>, vector<1x16xf32>,
    %broadcast_in_dim3A_268 = arith.constant 0.000000e+00 : f32
    %broadcast_in_dim3A_269 = vector.broadcast %broadcast_in_dim3A_268 : f32 to vector<16xf32>
    %swap3A_270 = arith.constant 4 : i32
    %swap3A_271 = arith.index_cast %swap3A_270 : i32 to index
    %swap3A_272 = arith.constant 16 : index
    %swap3A_273 = tpu.vector_load %arg12[%swap3A_271, %swap3A_272] {strides = array<i32>} : memref<5x128xf32, #tpu.memory_space<vmem>>, vector<1x16xf32>,
    %swap3A_274 = vector.shape_cast %swap3A_273 : vector<1x16xf32> to vector<16xf32>
    %swap3A_275 = vector.shape_cast %broadcast_in_dim3A_269 : vector<16xf32> to vector<1x16xf32>
    tpu.vector_store %arg12[%swap3A_271, %swap3A_272], %swap3A_275 {strides = array<i32>} : memref<5x128xf32, #tpu.memory_space<vmem>>, vector<1x16xf32>,
    %broadcast_in_dim3A_276 = arith.constant 0.000000e+00 : f32
    %broadcast_in_dim3A_277 = vector.broadcast %broadcast_in_dim3A_276 : f32 to vector<16xf32>
    %swap3A_278 = arith.constant 4 : i32
    %swap3A_279 = arith.index_cast %swap3A_278 : i32 to index
    %swap3A_280 = arith.constant 32 : index
    %swap3A_281 = tpu.vector_load %arg12[%swap3A_279, %swap3A_280] {strides = array<i32>} : memref<5x128xf32, #tpu.memory_space<vmem>>, vector<1x16xf32>,
    %swap3A_282 = vector.shape_cast %swap3A_281 : vector<1x16xf32> to vector<16xf32>
    %swap3A_283 = vector.shape_cast %broadcast_in_dim3A_277 : vector<16xf32> to vector<1x16xf32>
    tpu.vector_store %arg12[%swap3A_279, %swap3A_280], %swap3A_283 {strides = array<i32>} : memref<5x128xf32, #tpu.memory_space<vmem>>, vector<1x16xf32>,
    %broadcast_in_dim3A_284 = arith.constant 0.000000e+00 : f32
    %broadcast_in_dim3A_285 = vector.broadcast %broadcast_in_dim3A_284 : f32 to vector<16xf32>
    %swap3A_286 = arith.constant 4 : i32
    %swap3A_287 = arith.index_cast %swap3A_286 : i32 to index
    %swap3A_288 = arith.constant 48 : index
    %swap3A_289 = tpu.vector_load %arg12[%swap3A_287, %swap3A_288] {strides = array<i32>} : memref<5x128xf32, #tpu.memory_space<vmem>>, vector<1x16xf32>,
    %swap3A_290 = vector.shape_cast %swap3A_289 : vector<1x16xf32> to vector<16xf32>
    %swap3A_291 = vector.shape_cast %broadcast_in_dim3A_285 : vector<16xf32> to vector<1x16xf32>
    tpu.vector_store %arg12[%swap3A_287, %swap3A_288], %swap3A_291 {strides = array<i32>} : memref<5x128xf32, #tpu.memory_space<vmem>>, vector<1x16xf32>,
    %broadcast_in_dim3A_292 = arith.constant 0.000000e+00 : f32
    %broadcast_in_dim3A_293 = vector.broadcast %broadcast_in_dim3A_292 : f32 to vector<16xf32>
    %swap3A_294 = arith.constant 4 : i32
    %swap3A_295 = arith.index_cast %swap3A_294 : i32 to index
    %swap3A_296 = arith.constant 64 : index
    %swap3A_297 = tpu.vector_load %arg12[%swap3A_295, %swap3A_296] {strides = array<i32>} : memref<5x128xf32, #tpu.memory_space<vmem>>, vector<1x16xf32>,
    %swap3A_298 = vector.shape_cast %swap3A_297 : vector<1x16xf32> to vector<16xf32>
    %swap3A_299 = vector.shape_cast %broadcast_in_dim3A_293 : vector<16xf32> to vector<1x16xf32>
    tpu.vector_store %arg12[%swap3A_295, %swap3A_296], %swap3A_299 {strides = array<i32>} : memref<5x128xf32, #tpu.memory_space<vmem>>, vector<1x16xf32>,
    %broadcast_in_dim3A_300 = arith.constant 0.000000e+00 : f32
    %broadcast_in_dim3A_301 = vector.broadcast %broadcast_in_dim3A_300 : f32 to vector<16xf32>
    %swap3A_302 = arith.constant 4 : i32
    %swap3A_303 = arith.index_cast %swap3A_302 : i32 to index
    %swap3A_304 = arith.constant 80 : index
    %swap3A_305 = tpu.vector_load %arg12[%swap3A_303, %swap3A_304] {strides = array<i32>} : memref<5x128xf32, #tpu.memory_space<vmem>>, vector<1x16xf32>,
    %swap3A_306 = vector.shape_cast %swap3A_305 : vector<1x16xf32> to vector<16xf32>
    %swap3A_307 = vector.shape_cast %broadcast_in_dim3A_301 : vector<16xf32> to vector<1x16xf32>
    tpu.vector_store %arg12[%swap3A_303, %swap3A_304], %swap3A_307 {strides = array<i32>} : memref<5x128xf32, #tpu.memory_space<vmem>>, vector<1x16xf32>,
    %broadcast_in_dim3A_308 = arith.constant 0.000000e+00 : f32
    %broadcast_in_dim3A_309 = vector.broadcast %broadcast_in_dim3A_308 : f32 to vector<16xf32>
    %swap3A_310 = arith.constant 4 : i32
    %swap3A_311 = arith.index_cast %swap3A_310 : i32 to index
    %swap3A_312 = arith.constant 96 : index
    %swap3A_313 = tpu.vector_load %arg12[%swap3A_311, %swap3A_312] {strides = array<i32>} : memref<5x128xf32, #tpu.memory_space<vmem>>, vector<1x16xf32>,
    %swap3A_314 = vector.shape_cast %swap3A_313 : vector<1x16xf32> to vector<16xf32>
    %swap3A_315 = vector.shape_cast %broadcast_in_dim3A_309 : vector<16xf32> to vector<1x16xf32>
    tpu.vector_store %arg12[%swap3A_311, %swap3A_312], %swap3A_315 {strides = array<i32>} : memref<5x128xf32, #tpu.memory_space<vmem>>, vector<1x16xf32>,
    %broadcast_in_dim3A_316 = arith.constant 0.000000e+00 : f32
    %broadcast_in_dim3A_317 = vector.broadcast %broadcast_in_dim3A_316 : f32 to vector<16xf32>
    %swap3A_318 = arith.constant 4 : i32
    %swap3A_319 = arith.index_cast %swap3A_318 : i32 to index
    %swap3A_320 = arith.constant 112 : index
    %swap3A_321 = tpu.vector_load %arg12[%swap3A_319, %swap3A_320] {strides = array<i32>} : memref<5x128xf32, #tpu.memory_space<vmem>>, vector<1x16xf32>,
    %swap3A_322 = vector.shape_cast %swap3A_321 : vector<1x16xf32> to vector<16xf32>
    %swap3A_323 = vector.shape_cast %broadcast_in_dim3A_317 : vector<16xf32> to vector<1x16xf32>
    tpu.vector_store %arg12[%swap3A_319, %swap3A_320], %swap3A_323 {strides = array<i32>} : memref<5x128xf32, #tpu.memory_space<vmem>>, vector<1x16xf32>,
    %mul3A_324 = arith.constant 5 : i32
    %mul3A_325 = arith.muli %arg1, %mul3A_324 : i32
    "tpu.region"() ({
      %run_scoped3A = tpu.sem_alloc : memref<!tpu.dma_semaphore, #tpu.memory_space<semaphore_mem>>
      %dma_start3A_457 = arith.constant 0 : i32
      %dma_start3A_458 = tpu.memref_slice %arg13[%mul3A_325, %dma_start3A_457] : memref<80x128xf32, #tpu.memory_space<vmem_shared>> -> memref<5x128xf32, #tpu.memory_space<vmem_shared>>
      %dma_start3A_459 = arith.constant 0 : i32
      %dma_start3A_460 = tpu.memref_slice %arg13[%mul3A_325, %dma_start3A_459] : memref<80x128xf32, #tpu.memory_space<vmem_shared>> -> memref<5x128xf32, #tpu.memory_space<vmem_shared>>
      tpu.enqueue_dma source(%arg12 : memref<5x128xf32, #tpu.memory_space<vmem>>) target(%dma_start3A_460 : memref<5x128xf32, #tpu.memory_space<vmem_shared>>) target_semaphore(%run_scoped3A : memref<!tpu.dma_semaphore, #tpu.memory_space<semaphore_mem>>)
      %dma_wait3A_461 = arith.constant 0 : i32
      %dma_wait3A_462 = tpu.memref_slice %arg13[%mul3A_325, %dma_wait3A_461] : memref<80x128xf32, #tpu.memory_space<vmem_shared>> -> memref<5x128xf32, #tpu.memory_space<vmem_shared>>
      %dma_wait3A_463 = arith.constant 0 : i32
      %dma_wait3A_464 = tpu.memref_slice %arg13[%mul3A_325, %dma_wait3A_463] : memref<80x128xf32, #tpu.memory_space<vmem_shared>> -> memref<5x128xf32, #tpu.memory_space<vmem_shared>>
      tpu.wait_dma2 semaphore(%run_scoped3A : memref<!tpu.dma_semaphore, #tpu.memory_space<semaphore_mem>>) src(%arg12 : memref<5x128xf32, #tpu.memory_space<vmem>>) dst(%dma_wait3A_464 : memref<5x128xf32, #tpu.memory_space<vmem_shared>>)
      tpu.yield
    }) : () -> ()
    %dma_wait3A = tpu.memref_slice %arg3[%mul3A_2] : memref<10000xi32, #tpu.memory_space<hbm>> -> memref<312xi32, #tpu.memory_space<hbm>>
    %dma_wait3A_326 = tpu.memref_slice %arg3[%mul3A_2] : memref<10000xi32, #tpu.memory_space<hbm>> -> memref<312xi32, #tpu.memory_space<hbm>>
    tpu.wait_dma2 semaphore(%arg16 : memref<!tpu.dma_semaphore, #tpu.memory_space<semaphore_mem>>) src(%dma_wait3A_326 : memref<312xi32, #tpu.memory_space<hbm>>) dst(%arg6 : memref<312xi32, #tpu.memory_space<vmem>>)
    %dma_start3A_327 = arith.constant 0 : i32
    %dma_start3A_328 = arith.constant 0 : i32
    %dma_start3A_329 = arith.constant 0 : i32
    %dma_start3A_330 = tpu.memref_slice %arg8[%dma_start3A_327, %dma_start3A_328, %dma_start3A_329] : memref<3x104x128xf32, #tpu.memory_space<vmem>> -> memref<1x104x128xf32, #tpu.memory_space<vmem>>
    %dma_start3A_331 = tpu.memref_squeeze %dma_start3A_330 : memref<1x104x128xf32, #tpu.memory_space<vmem>> -> memref<104x128xf32, #tpu.memory_space<vmem>>
    %dma_start3A_332 = arith.constant 0 : i32
    %dma_start3A_333 = tpu.memref_slice %arg6[%dma_start3A_332] : memref<312xi32, #tpu.memory_space<vmem>> -> memref<104xi32, #tpu.memory_space<vmem>>
    %dma_start3A_334 = arith.constant 0 : i32
    %dma_start3A_335 = arith.constant 0 : i32
    %dma_start3A_336 = tpu.memref_slice %arg2[%dma_start3A_334, %dma_start3A_335] : memref<20000x128xf32, #tpu.memory_space<hbm>> -> memref<20000x128xf32, #tpu.memory_space<hbm>>
    tpu.enqueue_indirect_dma source(%dma_start3A_336 : memref<20000x128xf32, #tpu.memory_space<hbm>>) target(%dma_start3A_331 : memref<104x128xf32, #tpu.memory_space<vmem>>) offsets(%dma_start3A_333 : memref<104xi32, #tpu.memory_space<vmem>>) semaphore(%arg18 : memref<!tpu.dma_semaphore, #tpu.memory_space<semaphore_mem>>)
    %dma_start3A_337 = arith.constant 1 : i32
    %dma_start3A_338 = arith.constant 0 : i32
    %dma_start3A_339 = arith.constant 0 : i32
    %dma_start3A_340 = tpu.memref_slice %arg8[%dma_start3A_337, %dma_start3A_338, %dma_start3A_339] : memref<3x104x128xf32, #tpu.memory_space<vmem>> -> memref<1x104x128xf32, #tpu.memory_space<vmem>>
    %dma_start3A_341 = tpu.memref_squeeze %dma_start3A_340 : memref<1x104x128xf32, #tpu.memory_space<vmem>> -> memref<104x128xf32, #tpu.memory_space<vmem>>
    %dma_start3A_342 = arith.constant 104 : i32
    %dma_start3A_343 = tpu.memref_slice %arg6[%dma_start3A_342] : memref<312xi32, #tpu.memory_space<vmem>> -> memref<104xi32, #tpu.memory_space<vmem>>
    %dma_start3A_344 = arith.constant 0 : i32
    %dma_start3A_345 = arith.constant 0 : i32
    %dma_start3A_346 = tpu.memref_slice %arg2[%dma_start3A_344, %dma_start3A_345] : memref<20000x128xf32, #tpu.memory_space<hbm>> -> memref<20000x128xf32, #tpu.memory_space<hbm>>
    tpu.enqueue_indirect_dma source(%dma_start3A_346 : memref<20000x128xf32, #tpu.memory_space<hbm>>) target(%dma_start3A_341 : memref<104x128xf32, #tpu.memory_space<vmem>>) offsets(%dma_start3A_343 : memref<104xi32, #tpu.memory_space<vmem>>) semaphore(%arg19 : memref<!tpu.dma_semaphore, #tpu.memory_space<semaphore_mem>>)
    %dma_start3A_347 = arith.constant 2 : i32
    %dma_start3A_348 = arith.constant 0 : i32
    %dma_start3A_349 = arith.constant 0 : i32
    %dma_start3A_350 = tpu.memref_slice %arg8[%dma_start3A_347, %dma_start3A_348, %dma_start3A_349] : memref<3x104x128xf32, #tpu.memory_space<vmem>> -> memref<1x104x128xf32, #tpu.memory_space<vmem>>
    %dma_start3A_351 = tpu.memref_squeeze %dma_start3A_350 : memref<1x104x128xf32, #tpu.memory_space<vmem>> -> memref<104x128xf32, #tpu.memory_space<vmem>>
    %dma_start3A_352 = arith.constant 208 : i32
    %dma_start3A_353 = tpu.memref_slice %arg6[%dma_start3A_352] : memref<312xi32, #tpu.memory_space<vmem>> -> memref<104xi32, #tpu.memory_space<vmem>>
    %dma_start3A_354 = arith.constant 0 : i32
    %dma_start3A_355 = arith.constant 0 : i32
    %dma_start3A_356 = tpu.memref_slice %arg2[%dma_start3A_354, %dma_start3A_355] : memref<20000x128xf32, #tpu.memory_space<hbm>> -> memref<20000x128xf32, #tpu.memory_space<hbm>>
    tpu.enqueue_indirect_dma source(%dma_start3A_356 : memref<20000x128xf32, #tpu.memory_space<hbm>>) target(%dma_start3A_351 : memref<104x128xf32, #tpu.memory_space<vmem>>) offsets(%dma_start3A_353 : memref<104xi32, #tpu.memory_space<vmem>>) semaphore(%arg20 : memref<!tpu.dma_semaphore, #tpu.memory_space<semaphore_mem>>)
    %dma_wait3A_357 = tpu.memref_slice %arg4[%mul3A_2] : memref<10000xi32, #tpu.memory_space<hbm>> -> memref<312xi32, #tpu.memory_space<hbm>>
    %dma_wait3A_358 = tpu.memref_slice %arg4[%mul3A_2] : memref<10000xi32, #tpu.memory_space<hbm>> -> memref<312xi32, #tpu.memory_space<hbm>>
    tpu.wait_dma2 semaphore(%arg17 : memref<!tpu.dma_semaphore, #tpu.memory_space<semaphore_mem>>) src(%dma_wait3A_358 : memref<312xi32, #tpu.memory_space<hbm>>) dst(%arg7 : memref<312xi32, #tpu.memory_space<vmem>>)
    %barrier3A = arith.constant 0 : index
    tpu.barrier barrier_id(%barrier3A)
    %eq3A = arith.constant 31 : i32
    %eq3A_359 = arith.cmpi eq, %add3A, %eq3A : i32
    %convert_element_type3A = arith.extui %eq3A_359 : i1 to i32
    %cond3A = arith.constant 0 : i32
    %cond3A_360 = arith.cmpi ne, %convert_element_type3A, %cond3A : i32
    scf.if %cond3A_360 {
      "tpu.region"() ({
        %run_scoped3A_464 = tpu.sem_alloc : memref<!tpu.dma_semaphore, #tpu.memory_space<semaphore_mem>>
        %dma_start3A_465 = arith.constant 9984 : i32
        %dma_start3A_466 = tpu.memref_slice %arg3[%dma_start3A_465] : memref<10000xi32, #tpu.memory_space<hbm>> -> memref<16xi32, #tpu.memory_space<hbm>>
        %dma_start3A_467 = arith.constant 9984 : i32
        %dma_start3A_468 = tpu.memref_slice %arg3[%dma_start3A_467] : memref<10000xi32, #tpu.memory_space<hbm>> -> memref<16xi32, #tpu.memory_space<hbm>>
        tpu.enqueue_dma source(%dma_start3A_468 : memref<16xi32, #tpu.memory_space<hbm>>) target(%arg9 : memref<16xi32, #tpu.memory_space<vmem>>) target_semaphore(%run_scoped3A_464 : memref<!tpu.dma_semaphore, #tpu.memory_space<semaphore_mem>>)
        %dma_wait3A_469 = arith.constant 9984 : i32
        %dma_wait3A_470 = tpu.memref_slice %arg3[%dma_wait3A_469] : memref<10000xi32, #tpu.memory_space<hbm>> -> memref<16xi32, #tpu.memory_space<hbm>>
        %dma_wait3A_471 = arith.constant 9984 : i32
        %dma_wait3A_472 = tpu.memref_slice %arg3[%dma_wait3A_471] : memref<10000xi32, #tpu.memory_space<hbm>> -> memref<16xi32, #tpu.memory_space<hbm>>
        tpu.wait_dma2 semaphore(%run_scoped3A_464 : memref<!tpu.dma_semaphore, #tpu.memory_space<semaphore_mem>>) src(%dma_wait3A_472 : memref<16xi32, #tpu.memory_space<hbm>>) dst(%arg9 : memref<16xi32, #tpu.memory_space<vmem>>)
        tpu.yield
      }) : () -> ()
      %run_scoped3A = arith.constant 0 : i32
      "tpu.region"() ({
        %run_scoped3A_464 = tpu.sem_alloc : memref<!tpu.dma_semaphore, #tpu.memory_space<semaphore_mem>>
        %dma_start3A_465 = arith.constant 0 : i32
        %dma_start3A_466 = tpu.memref_slice %arg10[%run_scoped3A, %dma_start3A_465] : memref<1x16xi32, #tpu.memory_space<vmem>> -> memref<1x16xi32, #tpu.memory_space<vmem>>
        %dma_start3A_467 = tpu.memref_squeeze %dma_start3A_466 : memref<1x16xi32, #tpu.memory_space<vmem>> -> memref<16xi32, #tpu.memory_space<vmem>>
        %dma_start3A_468 = arith.constant 9984 : i32
        %dma_start3A_469 = tpu.memref_slice %arg4[%dma_start3A_468] : memref<10000xi32, #tpu.memory_space<hbm>> -> memref<16xi32, #tpu.memory_space<hbm>>
        %dma_start3A_470 = arith.constant 0 : i32
        %dma_start3A_471 = tpu.memref_slice %arg10[%run_scoped3A, %dma_start3A_470] : memref<1x16xi32, #tpu.memory_space<vmem>> -> memref<1x16xi32, #tpu.memory_space<vmem>>
        %dma_start3A_472 = tpu.memref_squeeze %dma_start3A_471 : memref<1x16xi32, #tpu.memory_space<vmem>> -> memref<16xi32, #tpu.memory_space<vmem>>
        %dma_start3A_473 = arith.constant 9984 : i32
        %dma_start3A_474 = tpu.memref_slice %arg4[%dma_start3A_473] : memref<10000xi32, #tpu.memory_space<hbm>> -> memref<16xi32, #tpu.memory_space<hbm>>
        tpu.enqueue_dma source(%dma_start3A_474 : memref<16xi32, #tpu.memory_space<hbm>>) target(%dma_start3A_472 : memref<16xi32, #tpu.memory_space<vmem>>) target_semaphore(%run_scoped3A_464 : memref<!tpu.dma_semaphore, #tpu.memory_space<semaphore_mem>>)
        %dma_wait3A_475 = arith.constant 0 : i32
        %dma_wait3A_476 = tpu.memref_slice %arg10[%run_scoped3A, %dma_wait3A_475] : memref<1x16xi32, #tpu.memory_space<vmem>> -> memref<1x16xi32, #tpu.memory_space<vmem>>
        %dma_wait3A_477 = tpu.memref_squeeze %dma_wait3A_476 : memref<1x16xi32, #tpu.memory_space<vmem>> -> memref<16xi32, #tpu.memory_space<vmem>>
        %dma_wait3A_478 = arith.constant 9984 : i32
        %dma_wait3A_479 = tpu.memref_slice %arg4[%dma_wait3A_478] : memref<10000xi32, #tpu.memory_space<hbm>> -> memref<16xi32, #tpu.memory_space<hbm>>
        %dma_wait3A_480 = arith.constant 0 : i32
        %dma_wait3A_481 = tpu.memref_slice %arg10[%run_scoped3A, %dma_wait3A_480] : memref<1x16xi32, #tpu.memory_space<vmem>> -> memref<1x16xi32, #tpu.memory_space<vmem>>
        %dma_wait3A_482 = tpu.memref_squeeze %dma_wait3A_481 : memref<1x16xi32, #tpu.memory_space<vmem>> -> memref<16xi32, #tpu.memory_space<vmem>>
        %dma_wait3A_483 = arith.constant 9984 : i32
        %dma_wait3A_484 = tpu.memref_slice %arg4[%dma_wait3A_483] : memref<10000xi32, #tpu.memory_space<hbm>> -> memref<16xi32, #tpu.memory_space<hbm>>
        tpu.wait_dma2 semaphore(%run_scoped3A_464 : memref<!tpu.dma_semaphore, #tpu.memory_space<semaphore_mem>>) src(%dma_wait3A_484 : memref<16xi32, #tpu.memory_space<hbm>>) dst(%dma_wait3A_482 : memref<16xi32, #tpu.memory_space<vmem>>)
        tpu.yield
      }) : () -> ()
      %dma_start3A_457 = arith.constant 0 : i32
      %dma_start3A_458 = arith.constant 0 : i32
      %dma_start3A_459 = tpu.memref_slice %arg2[%dma_start3A_457, %dma_start3A_458] : memref<20000x128xf32, #tpu.memory_space<hbm>> -> memref<20000x128xf32, #tpu.memory_space<hbm>>
      tpu.enqueue_indirect_dma source(%dma_start3A_459 : memref<20000x128xf32, #tpu.memory_space<hbm>>) target(%arg11 : memref<16x128xf32, #tpu.memory_space<vmem>>) offsets(%arg9 : memref<16xi32, #tpu.memory_space<vmem>>) semaphore(%arg15 : memref<!tpu.dma_semaphore, #tpu.memory_space<semaphore_mem>>)
      %dma_wait3A_460 = arith.constant 0 : i32
      %dma_wait3A_461 = arith.constant 0 : i32
      %dma_wait3A_462 = tpu.memref_slice %arg2[%dma_wait3A_460, %dma_wait3A_461] : memref<20000x128xf32, #tpu.memory_space<hbm>> -> memref<20000x128xf32, #tpu.memory_space<hbm>>
      tpu.wait_indirect_dma semaphore(%arg15 : memref<!tpu.dma_semaphore, #tpu.memory_space<semaphore_mem>>) src(%dma_wait3A_462 : memref<20000x128xf32, #tpu.memory_space<hbm>>) dst(%arg11 : memref<16x128xf32, #tpu.memory_space<vmem>>)
      %run_scoped3A_463 = arith.constant 0 : i32
      "tpu.region"() ({
        %run_scoped3A_464 = tpu.sem_alloc : memref<!tpu.dma_semaphore, #tpu.memory_space<semaphore_mem>>
        %dma_start3A_465 = arith.constant 0 : i32
        %dma_start3A_466 = tpu.memref_slice %arg10[%run_scoped3A_463, %dma_start3A_465] : memref<1x16xi32, #tpu.memory_space<vmem>> -> memref<1x16xi32, #tpu.memory_space<vmem>>
        %dma_start3A_467 = tpu.memref_squeeze %dma_start3A_466 : memref<1x16xi32, #tpu.memory_space<vmem>> -> memref<16xi32, #tpu.memory_space<vmem>>
        %dma_start3A_468 = arith.constant 0 : i32
        %dma_start3A_469 = arith.constant 0 : i32
        %dma_start3A_470 = tpu.memref_slice %arg13[%dma_start3A_468, %dma_start3A_469] : memref<80x128xf32, #tpu.memory_space<vmem_shared>> -> memref<80x128xf32, #tpu.memory_space<vmem_shared>>
        tpu.enqueue_indirect_dma source(%arg11 : memref<16x128xf32, #tpu.memory_space<vmem>>) target(%dma_start3A_470 : memref<80x128xf32, #tpu.memory_space<vmem_shared>>) offsets(%dma_start3A_467 : memref<16xi32, #tpu.memory_space<vmem>>) semaphore(%run_scoped3A_464 : memref<!tpu.dma_semaphore, #tpu.memory_space<semaphore_mem>>) {add = true}
        %dma_wait3A_471 = arith.constant 0 : i32
        %dma_wait3A_472 = tpu.memref_slice %arg10[%run_scoped3A_463, %dma_wait3A_471] : memref<1x16xi32, #tpu.memory_space<vmem>> -> memref<1x16xi32, #tpu.memory_space<vmem>>
        %dma_wait3A_473 = tpu.memref_squeeze %dma_wait3A_472 : memref<1x16xi32, #tpu.memory_space<vmem>> -> memref<16xi32, #tpu.memory_space<vmem>>
        %dma_wait3A_474 = arith.constant 0 : i32
        %dma_wait3A_475 = arith.constant 0 : i32
        %dma_wait3A_476 = tpu.memref_slice %arg13[%dma_wait3A_474, %dma_wait3A_475] : memref<80x128xf32, #tpu.memory_space<vmem_shared>> -> memref<80x128xf32, #tpu.memory_space<vmem_shared>>
        tpu.wait_indirect_dma semaphore(%run_scoped3A_464 : memref<!tpu.dma_semaphore, #tpu.memory_space<semaphore_mem>>) src(%arg11 : memref<16x128xf32, #tpu.memory_space<vmem>>) dst(%dma_wait3A_476 : memref<80x128xf32, #tpu.memory_space<vmem_shared>>)
        tpu.yield
      }) : () -> ()
    } else {
    }
    %dma_wait3A_361 = arith.constant 0 : i32
    %dma_wait3A_362 = arith.constant 0 : i32
    %dma_wait3A_363 = arith.constant 0 : i32
    %dma_wait3A_364 = tpu.memref_slice %arg8[%dma_wait3A_361, %dma_wait3A_362, %dma_wait3A_363] : memref<3x104x128xf32, #tpu.memory_space<vmem>> -> memref<1x104x128xf32, #tpu.memory_space<vmem>>
    %dma_wait3A_365 = tpu.memref_squeeze %dma_wait3A_364 : memref<1x104x128xf32, #tpu.memory_space<vmem>> -> memref<104x128xf32, #tpu.memory_space<vmem>>
    %dma_wait3A_366 = arith.constant 0 : i32
    %dma_wait3A_367 = tpu.memref_slice %arg6[%dma_wait3A_366] : memref<312xi32, #tpu.memory_space<vmem>> -> memref<104xi32, #tpu.memory_space<vmem>>
    %dma_wait3A_368 = arith.constant 0 : i32
    %dma_wait3A_369 = arith.constant 0 : i32
    %dma_wait3A_370 = tpu.memref_slice %arg2[%dma_wait3A_368, %dma_wait3A_369] : memref<20000x128xf32, #tpu.memory_space<hbm>> -> memref<20000x128xf32, #tpu.memory_space<hbm>>
    tpu.wait_indirect_dma semaphore(%arg18 : memref<!tpu.dma_semaphore, #tpu.memory_space<semaphore_mem>>) src(%dma_wait3A_370 : memref<20000x128xf32, #tpu.memory_space<hbm>>) dst(%dma_wait3A_365 : memref<104x128xf32, #tpu.memory_space<vmem>>)
    %dma_start3A_371 = arith.constant 0 : i32
    %dma_start3A_372 = arith.constant 0 : i32
    %dma_start3A_373 = arith.constant 0 : i32
    %dma_start3A_374 = tpu.memref_slice %arg8[%dma_start3A_371, %dma_start3A_372, %dma_start3A_373] : memref<3x104x128xf32, #tpu.memory_space<vmem>> -> memref<1x104x128xf32, #tpu.memory_space<vmem>>
    %dma_start3A_375 = tpu.memref_squeeze %dma_start3A_374 : memref<1x104x128xf32, #tpu.memory_space<vmem>> -> memref<104x128xf32, #tpu.memory_space<vmem>>
    %dma_start3A_376 = arith.constant 0 : i32
    %dma_start3A_377 = tpu.memref_slice %arg7[%dma_start3A_376] : memref<312xi32, #tpu.memory_space<vmem>> -> memref<104xi32, #tpu.memory_space<vmem>>
    %dma_start3A_378 = arith.constant 0 : i32
    %dma_start3A_379 = arith.constant 0 : i32
    %dma_start3A_380 = tpu.memref_slice %arg13[%dma_start3A_378, %dma_start3A_379] : memref<80x128xf32, #tpu.memory_space<vmem_shared>> -> memref<80x128xf32, #tpu.memory_space<vmem_shared>>
    tpu.enqueue_indirect_dma source(%dma_start3A_375 : memref<104x128xf32, #tpu.memory_space<vmem>>) target(%dma_start3A_380 : memref<80x128xf32, #tpu.memory_space<vmem_shared>>) offsets(%dma_start3A_377 : memref<104xi32, #tpu.memory_space<vmem>>) semaphore(%arg14 : memref<!tpu.dma_semaphore, #tpu.memory_space<semaphore_mem>>) {add = true}
    %dma_wait3A_381 = arith.constant 1 : i32
    %dma_wait3A_382 = arith.constant 0 : i32
    %dma_wait3A_383 = arith.constant 0 : i32
    %dma_wait3A_384 = tpu.memref_slice %arg8[%dma_wait3A_381, %dma_wait3A_382, %dma_wait3A_383] : memref<3x104x128xf32, #tpu.memory_space<vmem>> -> memref<1x104x128xf32, #tpu.memory_space<vmem>>
    %dma_wait3A_385 = tpu.memref_squeeze %dma_wait3A_384 : memref<1x104x128xf32, #tpu.memory_space<vmem>> -> memref<104x128xf32, #tpu.memory_space<vmem>>
    %dma_wait3A_386 = arith.constant 104 : i32
    %dma_wait3A_387 = tpu.memref_slice %arg6[%dma_wait3A_386] : memref<312xi32, #tpu.memory_space<vmem>> -> memref<104xi32, #tpu.memory_space<vmem>>
    %dma_wait3A_388 = arith.constant 0 : i32
    %dma_wait3A_389 = arith.constant 0 : i32
    %dma_wait3A_390 = tpu.memref_slice %arg2[%dma_wait3A_388, %dma_wait3A_389] : memref<20000x128xf32, #tpu.memory_space<hbm>> -> memref<20000x128xf32, #tpu.memory_space<hbm>>
    tpu.wait_indirect_dma semaphore(%arg19 : memref<!tpu.dma_semaphore, #tpu.memory_space<semaphore_mem>>) src(%dma_wait3A_390 : memref<20000x128xf32, #tpu.memory_space<hbm>>) dst(%dma_wait3A_385 : memref<104x128xf32, #tpu.memory_space<vmem>>)
    %dma_start3A_391 = arith.constant 1 : i32
    %dma_start3A_392 = arith.constant 0 : i32
    %dma_start3A_393 = arith.constant 0 : i32
    %dma_start3A_394 = tpu.memref_slice %arg8[%dma_start3A_391, %dma_start3A_392, %dma_start3A_393] : memref<3x104x128xf32, #tpu.memory_space<vmem>> -> memref<1x104x128xf32, #tpu.memory_space<vmem>>
    %dma_start3A_395 = tpu.memref_squeeze %dma_start3A_394 : memref<1x104x128xf32, #tpu.memory_space<vmem>> -> memref<104x128xf32, #tpu.memory_space<vmem>>
    %dma_start3A_396 = arith.constant 104 : i32
    %dma_start3A_397 = tpu.memref_slice %arg7[%dma_start3A_396] : memref<312xi32, #tpu.memory_space<vmem>> -> memref<104xi32, #tpu.memory_space<vmem>>
    %dma_start3A_398 = arith.constant 0 : i32
    %dma_start3A_399 = arith.constant 0 : i32
    %dma_start3A_400 = tpu.memref_slice %arg13[%dma_start3A_398, %dma_start3A_399] : memref<80x128xf32, #tpu.memory_space<vmem_shared>> -> memref<80x128xf32, #tpu.memory_space<vmem_shared>>
    tpu.enqueue_indirect_dma source(%dma_start3A_395 : memref<104x128xf32, #tpu.memory_space<vmem>>) target(%dma_start3A_400 : memref<80x128xf32, #tpu.memory_space<vmem_shared>>) offsets(%dma_start3A_397 : memref<104xi32, #tpu.memory_space<vmem>>) semaphore(%arg14 : memref<!tpu.dma_semaphore, #tpu.memory_space<semaphore_mem>>) {add = true}
    %dma_wait3A_401 = arith.constant 2 : i32
    %dma_wait3A_402 = arith.constant 0 : i32
    %dma_wait3A_403 = arith.constant 0 : i32
    %dma_wait3A_404 = tpu.memref_slice %arg8[%dma_wait3A_401, %dma_wait3A_402, %dma_wait3A_403] : memref<3x104x128xf32, #tpu.memory_space<vmem>> -> memref<1x104x128xf32, #tpu.memory_space<vmem>>
    %dma_wait3A_405 = tpu.memref_squeeze %dma_wait3A_404 : memref<1x104x128xf32, #tpu.memory_space<vmem>> -> memref<104x128xf32, #tpu.memory_space<vmem>>
    %dma_wait3A_406 = arith.constant 208 : i32
    %dma_wait3A_407 = tpu.memref_slice %arg6[%dma_wait3A_406] : memref<312xi32, #tpu.memory_space<vmem>> -> memref<104xi32, #tpu.memory_space<vmem>>
    %dma_wait3A_408 = arith.constant 0 : i32
    %dma_wait3A_409 = arith.constant 0 : i32
    %dma_wait3A_410 = tpu.memref_slice %arg2[%dma_wait3A_408, %dma_wait3A_409] : memref<20000x128xf32, #tpu.memory_space<hbm>> -> memref<20000x128xf32, #tpu.memory_space<hbm>>
    tpu.wait_indirect_dma semaphore(%arg20 : memref<!tpu.dma_semaphore, #tpu.memory_space<semaphore_mem>>) src(%dma_wait3A_410 : memref<20000x128xf32, #tpu.memory_space<hbm>>) dst(%dma_wait3A_405 : memref<104x128xf32, #tpu.memory_space<vmem>>)
    %dma_start3A_411 = arith.constant 2 : i32
    %dma_start3A_412 = arith.constant 0 : i32
    %dma_start3A_413 = arith.constant 0 : i32
    %dma_start3A_414 = tpu.memref_slice %arg8[%dma_start3A_411, %dma_start3A_412, %dma_start3A_413] : memref<3x104x128xf32, #tpu.memory_space<vmem>> -> memref<1x104x128xf32, #tpu.memory_space<vmem>>
    %dma_start3A_415 = tpu.memref_squeeze %dma_start3A_414 : memref<1x104x128xf32, #tpu.memory_space<vmem>> -> memref<104x128xf32, #tpu.memory_space<vmem>>
    %dma_start3A_416 = arith.constant 208 : i32
    %dma_start3A_417 = tpu.memref_slice %arg7[%dma_start3A_416] : memref<312xi32, #tpu.memory_space<vmem>> -> memref<104xi32, #tpu.memory_space<vmem>>
    %dma_start3A_418 = arith.constant 0 : i32
    %dma_start3A_419 = arith.constant 0 : i32
    %dma_start3A_420 = tpu.memref_slice %arg13[%dma_start3A_418, %dma_start3A_419] : memref<80x128xf32, #tpu.memory_space<vmem_shared>> -> memref<80x128xf32, #tpu.memory_space<vmem_shared>>
    tpu.enqueue_indirect_dma source(%dma_start3A_415 : memref<104x128xf32, #tpu.memory_space<vmem>>) target(%dma_start3A_420 : memref<80x128xf32, #tpu.memory_space<vmem_shared>>) offsets(%dma_start3A_417 : memref<104xi32, #tpu.memory_space<vmem>>) semaphore(%arg14 : memref<!tpu.dma_semaphore, #tpu.memory_space<semaphore_mem>>) {add = true}
    %dma_wait3A_421 = arith.constant 0 : i32
    %dma_wait3A_422 = arith.constant 0 : i32
    %dma_wait3A_423 = arith.constant 0 : i32
    %dma_wait3A_424 = tpu.memref_slice %arg8[%dma_wait3A_421, %dma_wait3A_422, %dma_wait3A_423] : memref<3x104x128xf32, #tpu.memory_space<vmem>> -> memref<1x104x128xf32, #tpu.memory_space<vmem>>
    %dma_wait3A_425 = tpu.memref_squeeze %dma_wait3A_424 : memref<1x104x128xf32, #tpu.memory_space<vmem>> -> memref<104x128xf32, #tpu.memory_space<vmem>>
    %dma_wait3A_426 = arith.constant 0 : i32
    %dma_wait3A_427 = tpu.memref_slice %arg7[%dma_wait3A_426] : memref<312xi32, #tpu.memory_space<vmem>> -> memref<104xi32, #tpu.memory_space<vmem>>
    %dma_wait3A_428 = arith.constant 0 : i32
    %dma_wait3A_429 = arith.constant 0 : i32
    %dma_wait3A_430 = tpu.memref_slice %arg13[%dma_wait3A_428, %dma_wait3A_429] : memref<80x128xf32, #tpu.memory_space<vmem_shared>> -> memref<80x128xf32, #tpu.memory_space<vmem_shared>>
    tpu.wait_indirect_dma semaphore(%arg14 : memref<!tpu.dma_semaphore, #tpu.memory_space<semaphore_mem>>) src(%dma_wait3A_425 : memref<104x128xf32, #tpu.memory_space<vmem>>) dst(%dma_wait3A_430 : memref<80x128xf32, #tpu.memory_space<vmem_shared>>)
    %dma_wait3A_431 = arith.constant 1 : i32
    %dma_wait3A_432 = arith.constant 0 : i32
    %dma_wait3A_433 = arith.constant 0 : i32
    %dma_wait3A_434 = tpu.memref_slice %arg8[%dma_wait3A_431, %dma_wait3A_432, %dma_wait3A_433] : memref<3x104x128xf32, #tpu.memory_space<vmem>> -> memref<1x104x128xf32, #tpu.memory_space<vmem>>
    %dma_wait3A_435 = tpu.memref_squeeze %dma_wait3A_434 : memref<1x104x128xf32, #tpu.memory_space<vmem>> -> memref<104x128xf32, #tpu.memory_space<vmem>>
    %dma_wait3A_436 = arith.constant 104 : i32
    %dma_wait3A_437 = tpu.memref_slice %arg7[%dma_wait3A_436] : memref<312xi32, #tpu.memory_space<vmem>> -> memref<104xi32, #tpu.memory_space<vmem>>
    %dma_wait3A_438 = arith.constant 0 : i32
    %dma_wait3A_439 = arith.constant 0 : i32
    %dma_wait3A_440 = tpu.memref_slice %arg13[%dma_wait3A_438, %dma_wait3A_439] : memref<80x128xf32, #tpu.memory_space<vmem_shared>> -> memref<80x128xf32, #tpu.memory_space<vmem_shared>>
    tpu.wait_indirect_dma semaphore(%arg14 : memref<!tpu.dma_semaphore, #tpu.memory_space<semaphore_mem>>) src(%dma_wait3A_435 : memref<104x128xf32, #tpu.memory_space<vmem>>) dst(%dma_wait3A_440 : memref<80x128xf32, #tpu.memory_space<vmem_shared>>)
    %dma_wait3A_441 = arith.constant 2 : i32
    %dma_wait3A_442 = arith.constant 0 : i32
    %dma_wait3A_443 = arith.constant 0 : i32
    %dma_wait3A_444 = tpu.memref_slice %arg8[%dma_wait3A_441, %dma_wait3A_442, %dma_wait3A_443] : memref<3x104x128xf32, #tpu.memory_space<vmem>> -> memref<1x104x128xf32, #tpu.memory_space<vmem>>
    %dma_wait3A_445 = tpu.memref_squeeze %dma_wait3A_444 : memref<1x104x128xf32, #tpu.memory_space<vmem>> -> memref<104x128xf32, #tpu.memory_space<vmem>>
    %dma_wait3A_446 = arith.constant 208 : i32
    %dma_wait3A_447 = tpu.memref_slice %arg7[%dma_wait3A_446] : memref<312xi32, #tpu.memory_space<vmem>> -> memref<104xi32, #tpu.memory_space<vmem>>
    %dma_wait3A_448 = arith.constant 0 : i32
    %dma_wait3A_449 = arith.constant 0 : i32
    %dma_wait3A_450 = tpu.memref_slice %arg13[%dma_wait3A_448, %dma_wait3A_449] : memref<80x128xf32, #tpu.memory_space<vmem_shared>> -> memref<80x128xf32, #tpu.memory_space<vmem_shared>>
    tpu.wait_indirect_dma semaphore(%arg14 : memref<!tpu.dma_semaphore, #tpu.memory_space<semaphore_mem>>) src(%dma_wait3A_445 : memref<104x128xf32, #tpu.memory_space<vmem>>) dst(%dma_wait3A_450 : memref<80x128xf32, #tpu.memory_space<vmem_shared>>)
    %barrier3A_451 = arith.constant 0 : index
    tpu.barrier barrier_id(%barrier3A_451)
    %eq3A_452 = arith.constant 0 : i32
    %eq3A_453 = arith.cmpi eq, %arg1, %eq3A_452 : i32
    %convert_element_type3A_454 = arith.extui %eq3A_453 : i1 to i32
    %cond3A_455 = arith.constant 0 : i32
    %cond3A_456 = arith.cmpi ne, %convert_element_type3A_454, %cond3A_455 : i32
    scf.if %cond3A_456 {
      "tpu.region"() ({
        %run_scoped3A = tpu.sem_alloc : memref<!tpu.dma_semaphore, #tpu.memory_space<semaphore_mem>>
        %dma_start3A_457 = arith.constant 0 : i32
        %dma_start3A_458 = arith.constant 0 : i32
        %dma_start3A_459 = tpu.memref_slice %arg5[%arg0, %dma_start3A_457, %dma_start3A_458] : memref<2x64x128xf32, #tpu.memory_space<hbm>> -> memref<1x64x128xf32, #tpu.memory_space<hbm>>
        %dma_start3A_460 = tpu.memref_squeeze %dma_start3A_459 : memref<1x64x128xf32, #tpu.memory_space<hbm>> -> memref<64x128xf32, #tpu.memory_space<hbm>>
        %dma_start3A_461 = arith.constant 0 : i32
        %dma_start3A_462 = arith.constant 0 : i32
        %dma_start3A_463 = tpu.memref_slice %arg13[%dma_start3A_461, %dma_start3A_462] : memref<80x128xf32, #tpu.memory_space<vmem_shared>> -> memref<64x128xf32, #tpu.memory_space<vmem_shared>>
        tpu.enqueue_dma source(%dma_start3A_463 : memref<64x128xf32, #tpu.memory_space<vmem_shared>>) target(%dma_start3A_460 : memref<64x128xf32, #tpu.memory_space<hbm>>) target_semaphore(%run_scoped3A : memref<!tpu.dma_semaphore, #tpu.memory_space<semaphore_mem>>)
        %dma_wait3A_464 = arith.constant 0 : i32
        %dma_wait3A_465 = arith.constant 0 : i32
        %dma_wait3A_466 = tpu.memref_slice %arg5[%arg0, %dma_wait3A_464, %dma_wait3A_465] : memref<2x64x128xf32, #tpu.memory_space<hbm>> -> memref<1x64x128xf32, #tpu.memory_space<hbm>>
        %dma_wait3A_467 = tpu.memref_squeeze %dma_wait3A_466 : memref<1x64x128xf32, #tpu.memory_space<hbm>> -> memref<64x128xf32, #tpu.memory_space<hbm>>
        %dma_wait3A_468 = arith.constant 0 : i32
        %dma_wait3A_469 = arith.constant 0 : i32
        %dma_wait3A_470 = tpu.memref_slice %arg13[%dma_wait3A_468, %dma_wait3A_469] : memref<80x128xf32, #tpu.memory_space<vmem_shared>> -> memref<64x128xf32, #tpu.memory_space<vmem_shared>>
        tpu.wait_dma2 semaphore(%run_scoped3A : memref<!tpu.dma_semaphore, #tpu.memory_space<semaphore_mem>>) src(%dma_wait3A_470 : memref<64x128xf32, #tpu.memory_space<vmem_shared>>) dst(%dma_wait3A_467 : memref<64x128xf32, #tpu.memory_space<hbm>>)
        tpu.yield
      }) : () -> ()
    } else {
    }
    return
  }
}

module attributes {stable_mosaic.version = 14 : i64} {
  func.func @_tc_mlp(%arg0: memref<2x64x128xf32, #tpu.memory_space<vmem>>, %arg1: memref<64x128xf32, #tpu.memory_space<vmem>>, %arg2: memref<256x128xf32, #tpu.memory_space<vmem>>, %arg3: memref<1x256xf32, #tpu.memory_space<vmem>>, %arg4: memref<2x256xf32, #tpu.memory_space<vmem>>, %arg5: memref<2x1xf32, #tpu.memory_space<vmem>>, %arg6: memref<2x64xf32, #tpu.memory_space<vmem>>) attributes {dimension_semantics = [], scalar_prefetch = 0 : i64, scratch_operands = 0 : i64, tpu.core_type = #tpu.core_type<tc>} {
    %get3A = arith.constant 0 : index
    %get3A_0 = arith.constant 0 : index
    %get3A_1 = arith.constant 0 : index
    %get3A_2 = vector.load %arg0[%get3A, %get3A_0, %get3A_1] : memref<2x64x128xf32, #tpu.memory_space<vmem>>, vector<1x64x128xf32>
    %get3A_3 = vector.shape_cast %get3A_2 : vector<1x64x128xf32> to vector<64x128xf32>
    %get3A_4 = arith.constant 1 : index
    %get3A_5 = arith.constant 0 : index
    %get3A_6 = arith.constant 0 : index
    %get3A_7 = vector.load %arg0[%get3A_4, %get3A_5, %get3A_6] : memref<2x64x128xf32, #tpu.memory_space<vmem>>, vector<1x64x128xf32>
    %get3A_8 = vector.shape_cast %get3A_7 : vector<1x64x128xf32> to vector<64x128xf32>
    %add3A = arith.addf %get3A_3, %get3A_8 : vector<64x128xf32>
    %get3A_9 = arith.constant 0 : index
    %get3A_10 = arith.constant 0 : index
    %get3A_11 = vector.load %arg1[%get3A_9, %get3A_10] : memref<64x128xf32, #tpu.memory_space<vmem>>, vector<64x128xf32>
    %add3A_12 = arith.addf %add3A, %get3A_11 : vector<64x128xf32>
    %get3A_13 = arith.constant 0 : index
    %get3A_14 = arith.constant 0 : index
    %get3A_15 = vector.load %arg2[%get3A_13, %get3A_14] : memref<256x128xf32, #tpu.memory_space<vmem>>, vector<256x128xf32>
    %dot_general3A = arith.constant dense<0.000000e+00> : vector<64x256xf32>
    %dot_general3A_16 = tpu.matmul %add3A_12, %get3A_15, %dot_general3A {dimension_numbers = #tpu.dot_dimension_numbers<[1], [1], [0], [0], [0, 0, 1, 0], [], []>, transpose_lhs_hint = false} : vector<64x128xf32>, vector<256x128xf32>, vector<64x256xf32> -> vector<64x256xf32>
    %get3A_17 = arith.constant 0 : index
    %get3A_18 = arith.constant 0 : index
    %get3A_19 = vector.load %arg3[%get3A_17, %get3A_18] : memref<1x256xf32, #tpu.memory_space<vmem>>, vector<1x256xf32>
    %add3A_20 = vector.broadcast %get3A_19 : vector<1x256xf32> to vector<64x256xf32>
    %add3A_21 = arith.addf %dot_general3A_16, %add3A_20 : vector<64x256xf32>
    %max3A = arith.constant 0.000000e+00 : f32
    %max3A_22 = vector.broadcast %max3A : f32 to vector<64x256xf32>
    %max3A_23 = arith.maximumf %add3A_21, %max3A_22 : vector<64x256xf32>
    %get3A_24 = arith.constant 0 : index
    %get3A_25 = arith.constant 0 : index
    %get3A_26 = vector.load %arg4[%get3A_24, %get3A_25] : memref<2x256xf32, #tpu.memory_space<vmem>>, vector<2x256xf32>
    %dot_general3A_27 = arith.constant dense<0.000000e+00> : vector<2x64xf32>
    %dot_general3A_28 = tpu.matmul %get3A_26, %max3A_23, %dot_general3A_27 {dimension_numbers = #tpu.dot_dimension_numbers<[1], [1], [0], [0], [0, 0, 1, 0], [], []>, transpose_lhs_hint = false} : vector<2x256xf32>, vector<64x256xf32>, vector<2x64xf32> -> vector<2x64xf32>
    %get3A_29 = arith.constant 0 : index
    %get3A_30 = arith.constant 0 : index
    %get3A_31 = vector.load %arg5[%get3A_29, %get3A_30] : memref<2x1xf32, #tpu.memory_space<vmem>>, vector<2x1xf32>
    %add3A_32 = vector.broadcast %get3A_31 : vector<2x1xf32> to vector<2x64xf32>
    %add3A_33 = arith.addf %dot_general3A_28, %add3A_32 : vector<2x64xf32>
    %reduce_max3A = arith.constant dense<0xFF800000> : vector<64xf32>
    %reduce_max3A_34 = vector.multi_reduction <maximumf>, %add3A_33, %reduce_max3A [0] : vector<2x64xf32> to vector<64xf32>
    %broadcast_in_dim3A = vector.shape_cast %reduce_max3A_34 : vector<64xf32> to vector<1x64xf32>
    %sub3A = vector.broadcast %broadcast_in_dim3A : vector<1x64xf32> to vector<2x64xf32>
    %sub3A_35 = arith.subf %add3A_33, %sub3A : vector<2x64xf32>
    %exp3A = math.exp %sub3A_35 : vector<2x64xf32>
    %reduce_sum3A = arith.constant dense<0.000000e+00> : vector<64xf32>
    %reduce_sum3A_36 = vector.multi_reduction <add>, %exp3A, %reduce_sum3A [0] : vector<2x64xf32> to vector<64xf32>
    %broadcast_in_dim3A_37 = vector.shape_cast %reduce_sum3A_36 : vector<64xf32> to vector<1x64xf32>
    %log3A = math.log %broadcast_in_dim3A_37 : vector<1x64xf32>
    %add3A_38 = arith.addf %broadcast_in_dim3A, %log3A : vector<1x64xf32>
    %sub3A_39 = vector.broadcast %add3A_38 : vector<1x64xf32> to vector<2x64xf32>
    %sub3A_40 = arith.subf %add3A_33, %sub3A_39 : vector<2x64xf32>
    %swap3A = arith.constant 0 : index
    %swap3A_41 = arith.constant 0 : index
    %swap3A_42 = vector.load %arg6[%swap3A, %swap3A_41] : memref<2x64xf32, #tpu.memory_space<vmem>>, vector<2x64xf32>
    tpu.vector_store %arg6[%swap3A, %swap3A_41], %sub3A_40 {strides = array<i32>} : memref<2x64xf32, #tpu.memory_space<vmem>>, vector<2x64xf32>,
    return
  }
}

module attributes {stable_mosaic.version = 14 : i64} {
  func.func @_tc_acts(%arg0: memref<1x10000xi32, #tpu.memory_space<vmem>>, %arg1: memref<2x10000xf32, #tpu.memory_space<vmem>>, %arg2: memref<2x128xf32, #tpu.memory_space<vmem>>, %arg3: memref<1x128xf32, #tpu.memory_space<vmem>>, %arg4: memref<64x128xf32, #tpu.memory_space<vmem>>) attributes {dimension_semantics = [], scalar_prefetch = 0 : i64, scratch_operands = 0 : i64, tpu.core_type = #tpu.core_type<tc>} {
    %get3A = arith.constant 0 : index
    %get3A_0 = arith.constant 0 : index
    %get3A_1 = vector.load %arg0[%get3A, %get3A_0] : memref<1x10000xi32, #tpu.memory_space<vmem>>, vector<1x10000xi32>
    %iota3A = tpu.iota {dimensions = array<i32: 0>} : vector<64x10000xi32>
    %eq3A = vector.broadcast %get3A_1 : vector<1x10000xi32> to vector<64x10000xi32>
    %eq3A_2 = arith.cmpi eq, %eq3A, %iota3A : vector<64x10000xi32>
    %convert_element_type3A = arith.extui %eq3A_2 : vector<64x10000xi1> to vector<64x10000xi32>
    %convert_element_type3A_3 = arith.sitofp %convert_element_type3A : vector<64x10000xi32> to vector<64x10000xf32>
    %get3A_4 = arith.constant 0 : index
    %get3A_5 = arith.constant 0 : index
    %get3A_6 = vector.load %arg1[%get3A_4, %get3A_5] : memref<2x10000xf32, #tpu.memory_space<vmem>>, vector<2x10000xf32>
    %dot_general3A = arith.constant dense<0.000000e+00> : vector<64x2xf32>
    %dot_general3A_7 = tpu.matmul %convert_element_type3A_3, %get3A_6, %dot_general3A {dimension_numbers = #tpu.dot_dimension_numbers<[1], [1], [0], [0], [0, 0, 1, 0], [], []>, transpose_lhs_hint = false} : vector<64x10000xf32>, vector<2x10000xf32>, vector<64x2xf32> -> vector<64x2xf32>
    %reduce_sum3A = arith.constant dense<0.000000e+00> : vector<64xf32>
    %reduce_sum3A_8 = vector.multi_reduction <add>, %convert_element_type3A_3, %reduce_sum3A [1] : vector<64x10000xf32> to vector<64xf32>
    %broadcast_in_dim3A = vector.shape_cast %reduce_sum3A_8 : vector<64xf32> to vector<64x1xf32>
    %get3A_9 = arith.constant 0 : index
    %get3A_10 = arith.constant 0 : index
    %get3A_11 = vector.load %arg2[%get3A_9, %get3A_10] : memref<2x128xf32, #tpu.memory_space<vmem>>, vector<2x128xf32>
    %dot_general3A_12 = arith.constant dense<0.000000e+00> : vector<64x128xf32>
    %dot_general3A_13 = tpu.matmul %dot_general3A_7, %get3A_11, %dot_general3A_12 {dimension_numbers = #tpu.dot_dimension_numbers<[1], [0], [0], [1], [0, 0, 1, 1], [], []>, transpose_lhs_hint = false} : vector<64x2xf32>, vector<2x128xf32>, vector<64x128xf32> -> vector<64x128xf32>
    %get3A_14 = arith.constant 0 : index
    %get3A_15 = arith.constant 0 : index
    %get3A_16 = vector.load %arg3[%get3A_14, %get3A_15] : memref<1x128xf32, #tpu.memory_space<vmem>>, vector<1x128xf32>
    %mul3A = vector.broadcast %broadcast_in_dim3A : vector<64x1xf32> to vector<64x128xf32>
    %mul3A_17 = vector.broadcast %get3A_16 : vector<1x128xf32> to vector<64x128xf32>
    %mul3A_18 = arith.mulf %mul3A, %mul3A_17 : vector<64x128xf32>
    %add3A = arith.addf %dot_general3A_13, %mul3A_18 : vector<64x128xf32>
    %swap3A = arith.constant 0 : index
    %swap3A_19 = arith.constant 0 : index
    %swap3A_20 = vector.load %arg4[%swap3A, %swap3A_19] : memref<64x128xf32, #tpu.memory_space<vmem>>, vector<64x128xf32>
    tpu.vector_store %arg4[%swap3A, %swap3A_19], %add3A {strides = array<i32>} : memref<64x128xf32, #tpu.memory_space<vmem>>, vector<64x128xf32>,
    return
  }
}

</mosaic_0001>

<sc_bundles>
// kernel: kernel.5.cloned.1.call-start
scs
__scs_entry_jumppad:
0x0: {  	(pc) =	sbr.rel $0x88, $3  }
0x1: {  	(tag) =	ssettag $0x0;
	lr =	simm.s32 $0x1  }
0x2: {  	[smem:$0x3F97] =	sst lr;
	_ =	strace $0xD0000000  }
0x3: {  	_ = 	snop  }
0x4: {  	_ = 	snop  }
0x5: {  	_ = 	snop  }
0x6: {  	_ = 	snop  }
0x7: {  	_ = 	snop  }
__scs_overlays_trampoline_lowered:
0x8: {  	[smem:$0x3FA6] =	sst s0  }
0x9: {  	[smem:$0x3FA7] =	sst s1  }
0xa: {  	[smem:$0x3FA8] =	sst s2  }
0xb: {  	[smem:$0x3FA9] =	sst s3  }
0xc: {  	[smem:$0x3FAA] =	sst s4  }
0xd: {  	[smem:$0x3FAB] =	sst s5  }
0xe: {  	[smem:$0x3FAC] =	sst s6  }
0xf: {  	[smem:$0x3FAD] =	sst s7  }
0x10: {  	[smem:$0x3FAE] =	sst s8  }
0x11: {  	[smem:$0x3FAF] =	sst s9;
	s0 =	simm.s32 @!p0 $0x0  }
0x12: {  	s1 =	sld [smem:$0x3F95];
	s0 =	simm.s32 @p0 $0x1  }
0x13: {  	[smem:$0x3FB0] =	sst s0;
	s0 =	simm.s32 @!p1 $0x0  }
0x14: {  	s2 =	sld [smem:$0x3F94];
	s0 =	simm.s32 @p1 $0x1  }
0x15: {  	[smem:$0x3FB1] =	sst s0;
	s0 =	simm.s32 @!p2 $0x0  }
0x16: {  	s3 =	sld [smem:$0x3FDB];
	s0 =	simm.s32 @p2 $0x1  }
0x17: {  	s4 =	simm.s32 $0x1BF5;
	[smem:$0x3FB3] =	sst s0  }
0x18: {  	s0 =	sld [smem:$0x3F96];
	_ =	swait.ge [sflag:s4], $0x0  }
0x19: {  	s7 =	sld [smem:$0x3F97]  }
0x1a: {  	s8 =	sadd.s32 $0xFFFFE003, lr  }
0x1b: {  	s9 =	sadd.s32 $0xFFFFFEF7, lr;
	s5 =	simm.s32 $0xFFFFFFFF;
	p2 =	slt.u32 s8, $0xFFFFF086  }
0x1c: {  	p1 =	slt.u32 s9, $0xF7A;
	s5 =	simm.s32 @!p2 $0x0  }
0x1d: {  	s5 =	simm.s32 @p1 $0x1;
	p0 =	seq.s32 s7, s2  }
0x1e: {  	s7 =	smul.u32 @!p0 $0xF7A, s2;
	p2 =	seq.s32 @!p0 s5, $0x0  }
0x1f: {  	s9 =	smul.u32 $0xF7A, s1;
	s8 =	simm.s32 @!p0 $0x1BF5;
	p2 =	por !p2, p0  }
0x20: {  	[sflag:s8] =	ssyncset.s32 @!p0 $0xFFFFF086;
	s6 =	sadd.s32 @!p0 s3, s7;
	s7 =	simm.s32 @!p0 $0x108  }
0x21: {  	s3 =	sadd.s32 s3, s9;
	s6 =	sadd.s32 @!p0 $0x88, s6;
	s7 =	simm.s32 @p2 $0x1082  }
0x22: {  	[simem:s7], [sflag:s8] =	dma.local @!p0 [hbm:s6], $0xF7A  }
0x23: {  	s9 =	sor.u32 $0xD0000000, s2;
	s6 =	simm.s32 $0x108;
	_ =	swait.ge @!p0 [sflag:s8], $0x0  }
0x24: {  	s3 =	sadd.s32 $0x88, s3;
	s6 =	simm.s32 @!p1 $0x1082;
	[sflag:s4] =	ssyncset.s32 $0xFFFFF086  }
0x25: {  	[simem:s6], [sflag:s4] =	dma.local [hbm:s3], $0xF7A  }
0x26: {  	[smem:$0x3F97] =	sst s1;
	(tag) =	ssettag s2;
	_ =	strace s9  }
0x27: {  	s1 =	sld [smem:$0x3FA7]  }
0x28: {  	s2 =	sld [smem:$0x3FA8]  }
0x29: {  	s4 =	sld [smem:$0x3FAA]  }
0x2a: {  	p0 =	seq.s32 s5, $0x0;
	s5 =	sld [smem:$0x3FAB]  }
0x2b: {  	s6 =	sld [smem:$0x3FAC]  }
0x2c: {  	s7 =	sld [smem:$0x3FAD]  }
0x2d: {  	s3 =	simm.s32 $0x108;
	s8 =	sld [smem:$0x3FAE]  }
0x2e: {  	s3 =	simm.s32 @!p0 $0x1082;
	s9 =	sld [smem:$0x3FAF]  }
0x2f: {  	lr =	sadd.s32 s0, s3;
	s0 =	sld [smem:$0x3FA6]  }
0x30: {  	s3 =	sld [smem:$0x3FA9]  }
0x31: {  	[smem:$0x3FB2] =	sst s10  }
0x32: {  	s10 =	sld [smem:$0x3FB0];
	_ =	sdelay $0x3  }
0x33: {  	p0 =	seq.s32 s10, $0x1;
	s10 =	sld [smem:$0x3FB2];
	_ =	sdelay $0x3  }
0x34: {  	[smem:$0x3FB2] =	sst s10  }
0x35: {  	s10 =	sld [smem:$0x3FB1];
	_ =	sdelay $0x3  }
0x36: {  	p1 =	seq.s32 s10, $0x1;
	s10 =	sld [smem:$0x3FB2];
	_ =	sdelay $0x3  }
0x37: {  	[smem:$0x3FB2] =	sst s10  }
0x38: {  	s10 =	sld [smem:$0x3FB3]  }
0x39: {  	_ = 	snop;
	(pc) =	sbr.ind lr, $3  }
0x3a: {  	_ = 	snop  }
0x3b: {  	_ = 	snop  }
0x3c: {  	p2 =	seq.s32 s10, $0x1;
	s10 =	sld [smem:$0x3FB2]  }
0x3d: {  	_ =	shalt  }
0x3e: {  	_ =	shalt  }
0x3f: {  	_ =	shalt  }
0x40: {  	_ =	shalt  }
0x41: {  	_ =	shalt  }
0x42: {  	_ =	shalt  }
0x43: {  	_ =	shalt  }
0x44: {  	_ =	shalt  }
0x45: {  	_ =	shalt  }
0x46: {  	_ =	shalt  }
0x47: {  	_ =	shalt  }
0x48: {  	_ =	shalt  }
0x49: {  	_ =	shalt  }
0x4a: {  	_ =	shalt  }
0x4b: {  	_ =	shalt  }
0x4c: {  	_ =	shalt  }
0x4d: {  	_ =	shalt  }
0x4e: {  	_ =	shalt  }
0x4f: {  	_ =	shalt  }
0x50: {  	_ =	shalt  }
0x51: {  	_ =	shalt  }
0x52: {  	_ =	shalt  }
0x53: {  	_ =	shalt  }
0x54: {  	_ =	shalt  }
0x55: {  	_ =	shalt  }
0x56: {  	_ =	shalt  }
0x57: {  	_ =	shalt  }
0x58: {  	_ =	shalt  }
0x59: {  	_ =	shalt  }
0x5a: {  	_ =	shalt  }
0x5b: {  	_ =	shalt  }
0x5c: {  	_ =	shalt  }
0x5d: {  	_ =	shalt  }
0x5e: {  	_ =	shalt  }
0x5f: {  	_ =	shalt  }
0x60: {  	_ =	shalt  }
0x61: {  	_ =	shalt  }
0x62: {  	_ =	shalt  }
0x63: {  	_ =	shalt  }
0x64: {  	_ =	shalt  }
0x65: {  	_ =	shalt  }
0x66: {  	_ =	shalt  }
0x67: {  	_ =	shalt  }
0x68: {  	_ =	shalt  }
0x69: {  	_ =	shalt  }
0x6a: {  	_ =	shalt  }
0x6b: {  	_ =	shalt  }
0x6c: {  	_ =	shalt  }
0x6d: {  	_ =	shalt  }
0x6e: {  	_ =	shalt  }
0x6f: {  	_ =	shalt  }
0x70: {  	_ =	shalt  }
0x71: {  	_ =	shalt  }
0x72: {  	_ =	shalt  }
0x73: {  	_ =	shalt  }
0x74: {  	_ =	shalt  }
0x75: {  	_ =	shalt  }
0x76: {  	_ =	shalt  }
0x77: {  	_ =	shalt  }
0x78: {  	_ =	shalt  }
0x79: {  	_ =	shalt  }
0x7a: {  	_ =	shalt  }
0x7b: {  	_ =	shalt  }
0x7c: {  	_ =	shalt  }
0x7d: {  	_ =	shalt  }
0x7e: {  	_ =	shalt  }
0x7f: {  	_ =	shalt  }
0x80: {  	_ =	shalt  }
0x81: {  	_ =	shalt  }
0x82: {  	_ =	shalt  }
0x83: {  	_ =	shalt  }
0x84: {  	_ =	shalt  }
0x85: {  	_ =	shalt  }
0x86: {  	_ =	shalt  }
0x87: {  	_ =	shalt  }
.Lfunc_end0:
.L_simem_size_0:
called_computation_lowered:
.L_overlay_start_0:
0x88: {  	s2 =	sld [smem:$0x3FD9]  }
0x89: {  	s3 =	sld [smem:$0x3FFE];
	_ =	sdelay $0x1  }
0x8a: {  	s1 =	srdreg.scid  }
0x8b: {  	s0 =	sand.u32 $0x1, s1  }
0x8c: {  	s17 =	sshll.u32 s0, $0xA;
	s2 =	sadd.s32 s3, s2  }
0x8d: {  	s2 =	sadd.s32 s2, s17  }
0x8e: {  	[smem:$0x3FBE] =	sst s2  }
0x8f: {  	_ = 	snop  }
0x90: {  	s2 =	sld [smem:$0x3FC9]  }
0x91: {  	s18 =	sld [smem:$0x3FC1]  }
0x92: {  	s4 =	sld [smem:$0x3FC0];
	(tm) =	ssettm $0x1  }
0x93: {  	s5 =	sld [smem:$0x3FFB];
	_ =	sdelay $0x3  }
0x94: {  	_ =	strace s5  }
0x95: {  	s5 =	sld [smem:$0x3FFC];
	_ =	sdelay $0x3  }
0x96: {  	_ =	strace s5  }
0x97: {  	s5 =	sld [smem:$0x3FFD];
	_ =	sdelay $0x3  }
0x98: {  	_ =	strace s5  }
0x99: {  	_ =	strace $0x8FFFFFFF  }
0x9a: {  	s19 =	sld [smem:$0x3FDB];
	_ =	sdelay $0x1  }
0x9b: {  	s6 =	simm.s32 $_scs_section_size  }
0x9c: {  	s7 =	simm.s32 $_size__tile_overlayer_lowered;
	s8 =	simm.s32 $_tile_overlayer_lowered  }
0x9d: {  	s22 =	simm.s32 $0x1BFF;
	s21 =	sshll.u32 s8, $0x1;
	s5 =	sadd.s32 s6, s19  }
0x9e: {  	s9 =	simm.s32 $0x0;
	s20 =	sshll.u32 s7, $0x1;
	s7 =	sadd.s32 s21, s5  }
0x9f: {  	[timem:s9], [sflag:s22] =	dma.local [hbm:s7], s20  }
0xa0: {  	_ =	swait.ge [sflag:s22], s20  }
0xa1: {  	s6 =	ssub.s32 $0x0, s20;
	[sflag:s22] =	ssyncset.done $0x0  }
0xa2: {  	[sflag:s22] =	ssyncadd.s32 s6;
	_ =	sdelay $0x1  }
0xa3: {  	s23 =	simm.s32 $0x1B8B  }
0xa4: {  	_ =	swait.ge [sflag:s23], $0x1  }
0xa5: {  	[sflag:s23] =	ssyncset.done $0x0  }
0xa6: {  	s25 =	simm.s32 $0x1B8E;
	s24 =	sld [smem:$0x3FFE];
	[sflag:s23] =	ssyncadd.s32 $0xFFFFFFFF  }
0xa7: {  	s26 =	simm.s32 $execute0_lowered;
	[smem:$0x3FD2] =	sst s25  }
0xa8: {  	s7 =	sshll.u32 s26, $0x1;
	_ =	strace $0x80000046;
	[dreg:$0x1] =	wrdreg $0xFFFFFFFF  }
0xa9: {  	s28 =	simm.s32 $_size_execute0_lowered;
	s5 =	sadd.s32 s5, s7;
	[dreg:$0x0] =	wrdreg $0x0  }
0xaa: {  	s7 =	sshll.u32 s28, $0x1;
	[dreg:$0x2] =	wrdreg s5  }
0xab: {  	[dreg:$0x3] =	wrdreg s7  }
0xac: {  	[dreg:$0x4] =	wrdreg $0xC0  }
0xad: {  	_ =	task [dreg:s9], $0x5FFFF  }
0xae: {  	[dreg:$0x1] =	wrdreg $0xFFFFFFFF  }
0xaf: {  	[dreg:$0x0] =	wrdreg $0x60  }
0xb0: {  	[dreg:$0x2] =	wrdreg s2  }
0xb1: {  	[dreg:$0x3] =	wrdreg s18  }
0xb2: {  	[dreg:$0x4] =	wrdreg s4  }
0xb3: {  	[dreg:$0x5] =	wrdreg s24  }
0xb4: {  	[dreg:$0x6] =	wrdreg $0xAC000  }
0xb5: {  	[dreg:$0x7] =	wrdreg $0x9  }
0xb6: {  	_ =	task.clear_ibuf [dreg:s9], $0x8FFFF;
	_ =	strace $0x90000046  }
0xb7: {  	s29 =	simm.s32 $0x9;
	_ =	strace $0x80000048  }
0xb8: {  	_ =	swait.ge [sflag:s29], $0x1  }
0xb9: {  	[sflag:s29] =	ssyncadd.s32 $0xFFFFFFFF  }
0xba: {  	_ =	strace $0x90000048  }
0xbb: {  	_ =	sfence  }
0xbc: {  	s30 =	sld [smem:$0x0];
	_ =	sdelay $0x2  }
0xbd: {  	s31 =	sshll.u32 s1, $0xD;
	s1 =	sshrl.u32 s1, $0x2  }
0xbe: {  	s3 =	sand.u32 $0x4000, s31;
	s1 =	sadd.s32 s1, s30  }
0xbf: {  	s0 =	sor.u32 s3, s0;
	s1 =	sshll.u32 s1, $0x11  }
0xc0: {  	s0 =	sor.u32 s1, s0  }
0xc1: {  	s0 =	sadd.s32 $0x8F2B, s0  }
0xc2: {  	[sflag:s0] =	ssyncadd.remote.s32 $0x1  }
0xc3: {  	_ =	sfence.sel $0xFFFF  }
0xc4: {  	[dreg:$0x0] =	wrdreg $0xFFFFFFFF;
	(pc) =	sbr.abs _section_cstart, $3  }
0xc5: {  	[dreg:$0x1] =	wrdreg $0xFFFFFFFF  }
0xc6: {  	_ =	task.clear_ibuf [dreg:s9], $0x2FFFF;
	_ =	strace $0x9FFFFFFF  }
0xc7: {  	(tm) =	ssettm $0x7FFFFFFF  }
tec
execute0_lowered:
.L_overlay_start_1:
0x0: {  	(tag) =	ssettag $0x1  }
0x1: {  	s2 =	rddreg [dreg:$0x0]  }
0x2: {  	s0 =	srdreg.scid;
	s12 =	stileid.u32  }
0x3: {  	s5 =	rddreg [dreg:$0x1];
	s8 =	sand.u32 $0x1, s0;
	s30 =	sshll.u32 s12, $0x1  }
0x4: {  	s6 =	rddreg [dreg:$0x2];
	s13 =	sor.u32 s8, s30  }
0x5: {  	s14 =	rddreg [dreg:$0x3];
	s3 =	smul.u32 $0x27, s13  }
0x6: {  	s1 =	rddreg [dreg:$0x4];
	s4 =	simm.s32 $0x0  }
0x7: {  	[smem:$0x7FF] =	sst s4;
	s7 =	sadd.s32 s5, s3  }
0x8: {  	_ =	strace $0x80000047;
	s3 =	sadd.s32 s6, s3;
	[dreg:$0x6] =	wrdreg s7  }
0x9: {  	[dreg:$0x7] =	wrdreg s3  }
0xa: {  	s7 =	rddreg [dreg:$0x6]  }
0xb: {  	[tilespmem:s4], [sflag:$0x3] =	stream.linear.gather [hbm4b:s7+s4], $0x138, $0x38;
	[tilespmem:$0xAE80] =	vst v63  }
0xc: {  	s3 =	simm.s32 $0x180;
	s9 =	rddreg [dreg:$0x7]  }
0xd: {  	v0 =	vimm.f32 $0.0e+00;
	[tilespmem:s3], [sflag:$0x4] =	stream.linear.gather [hbm4b:s9+s4], $0x138, $0x38;
	[tilespmem:$0xAE80] =	vst v63  }
0xe: {  	[tilespmem:$0xAA70] =	vst v0  }
0xf: {  	[tilespmem:$0xAA60] =	vst v0  }
0x10: {  	[tilespmem:$0xAA50] =	vst v0  }
0x11: {  	[tilespmem:$0xAA40] =	vst v0  }
0x12: {  	[tilespmem:$0xAA30] =	vst v0  }
0x13: {  	[tilespmem:$0xAA20] =	vst v0  }
0x14: {  	[tilespmem:$0xAA10] =	vst v0  }
0x15: {  	[tilespmem:$0xAA00] =	vst v0  }
0x16: {  	[tilespmem:$0xA9F0] =	vst v0  }
0x17: {  	[tilespmem:$0xA9E0] =	vst v0  }
0x18: {  	[tilespmem:$0xA9D0] =	vst v0  }
0x19: {  	[tilespmem:$0xA9C0] =	vst v0  }
0x1a: {  	[tilespmem:$0xA9B0] =	vst v0  }
0x1b: {  	[tilespmem:$0xA9A0] =	vst v0  }
0x1c: {  	[tilespmem:$0xA990] =	vst v0  }
0x1d: {  	[tilespmem:$0xA980] =	vst v0  }
0x1e: {  	[tilespmem:$0xA970] =	vst v0  }
0x1f: {  	[tilespmem:$0xA960] =	vst v0  }
0x20: {  	[tilespmem:$0xA950] =	vst v0  }
0x21: {  	[tilespmem:$0xA940] =	vst v0  }
0x22: {  	[tilespmem:$0xA930] =	vst v0  }
0x23: {  	[tilespmem:$0xA920] =	vst v0  }
0x24: {  	[tilespmem:$0xA910] =	vst v0  }
0x25: {  	[tilespmem:$0xA900] =	vst v0  }
0x26: {  	[tilespmem:$0xA8F0] =	vst v0  }
0x27: {  	[tilespmem:$0xA8E0] =	vst v0  }
0x28: {  	[tilespmem:$0xA8D0] =	vst v0  }
0x29: {  	[tilespmem:$0xA8C0] =	vst v0  }
0x2a: {  	[tilespmem:$0xA8B0] =	vst v0  }
0x2b: {  	[tilespmem:$0xA8A0] =	vst v0  }
0x2c: {  	[tilespmem:$0xA890] =	vst v0  }
0x2d: {  	[tilespmem:$0xA880] =	vst v0  }
0x2e: {  	[tilespmem:$0xA870] =	vst v0  }
0x2f: {  	[tilespmem:$0xA860] =	vst v0  }
0x30: {  	s31 =	smul.u32 $0xA00, s12;
	[tilespmem:$0xA850] =	vst v0  }
0x31: {  	[tilespmem:$0xA840] =	vst v0  }
0x32: {  	s5 =	sadd.s32 $0x4E0, s5;
	s7 =	sshrl.u32 s31, $0x2;
	[tilespmem:$0xA830] =	vst v0  }
0x33: {  	[dreg:$0x9] =	wrdreg s5;
	s7 =	sadd.s32 s7, s1;
	[tilespmem:$0xA820] =	vst v0  }
0x34: {  	s10 =	simm.s32 $0xA800;
	s11 =	simm.s32 $0x8;
	[dreg:$0x8] =	wrdreg s7;
	[tilespmem:$0xA800] =	vst v0  }
0x35: {  	s16 =	simm.s32 $0x3;
	s21 =	simm.s32 $0xD0;
	s7 =	rddreg [dreg:$0x8];
	[tilespmem:$0xA810] =	vst v0  }
0x36: {  	[spmem:s7] =	stream.linear.scatter [tilespmem:s10], [sflag:$0x8], $0x280, $0x38;
	[tilespmem:$0xAE80] =	vst v63  }
0x37: {  	s22 =	simm.s32 $0x4;
	s19 =	simm.s32 $0x5;
	_ =	swait.ge [sflag:s11], $0x280  }
0x38: {  	s20 =	sadd.s32 $0x4E0, s6;
	p0 =	sne.s32 s12, $0x0;
	[sflag:s11] =	ssyncset.done $0x0  }
0x39: {  	s15 =	ssub.s32 $0x2, s8;
	s17 =	sshll.u32 s8, $0xA;
	[sflag:s11] =	ssyncadd.s32 $0xFFFFFD80  }
0x3a: {  	s8 =	simm.s32 $0x6B00;
	s18 =	sshrl.u32 s15, $0x1;
	_ =	swait.ge [sflag:s16], $0x138  }
0x3b: {  	s14 =	sadd.s32 s17, s14;
	p1 =	sne.s32 s13, $0x1F;
	[sflag:s16] =	ssyncset.done $0x0  }
0x3c: {  	s5 =	simm.s32 $0x68;
	s7 =	simm.s32 $0x300;
	[sflag:s16] =	ssyncadd.s32 $0xFFFFFEC8  }
0x3d: {  	[tilespmem:s7], [sflag:$0x5] =	stream.indirect.gather [hbm4b:s2+s5], $0x80, s4, s5, $0xb8;
	[tilespmem:$0xAE80] =	vst v63  }
0x3e: {  	s17 =	simm.s32 $0x6;
	s15 =	ssub.s32 s15, s18;
	s9 =	simm.s32 $0x3700  }
0x3f: {  	[tilespmem:s9], [sflag:$0x6] =	stream.indirect.gather [hbm4b:s2+s5], $0x80, s5, s5, $0xb8;
	[tilespmem:$0xAE80] =	vst v63  }
0x40: {  	s13 =	sshrl.u32 @!p0 s1, $0x3;
	s18 =	simm.s32 $0x1E8;
	s23 =	smax.u32 s15, $0x1  }
0x41: {  	[tilespmem:s8], [sflag:$0x7] =	stream.indirect.gather [hbm4b:s2+s5], $0x80, s21, s5, $0xb8;
	[tilespmem:$0xAE80] =	vst v63  }
0x42: {  	s25 =	simm.s32 @!p1 $0x0;
	s28 =	sadd.s32 $0xFFFFFFFF, s23;
	_ =	swait.ge [sflag:s22], $0x138  }
0x43: {  	s24 =	simm.s32 @!p1 $0x9F00;
	p2 =	sne.s32 s28, $0x0;
	[sflag:s22] =	ssyncset.done $0x0  }
.Ltmp0:
0x44: {  	s29 =	simm.s32 @!p1 $0x9F80;
	[sflag:s22] =	ssyncadd.s32 $0xFFFFFEC8;
	(pc) =	sbr.rel @!p2 .LBB2_1-.Ltmp0, $4  }
0x45: {  	s26 =	simm.s32 @!p1 $0x9F80;
	s6 =	sadd.s32 $0x1600, s14;
	[bflag:$0x0] =	sbarrier.arrive $0xFFFF  }
0x46: {  	s14 =	simm.s32 $0x7;
	s23 =	simm.s32 @!p1 $0x8;
	s12 =	rddreg [dreg:$0x9]  }
0x47: {  	[tilespmem:s24], [sflag:$0x8] =	stream.linear.gather @!p1 [hbm4b:s12+s25], $0x10, $0x38;
	[tilespmem:$0xAE80] =	vst v63  }
0x48: {  	s15 =	simm.s32 $0x250;
	s12 =	simm.s32 $0x1;
	_ =	swait.ge @!p1 [sflag:s23], $0x10  }
.LBB2_2:
0x49: {  	[sflag:s23] =	ssyncset.done @!p1 $0x0  }
0x4a: {  	[sflag:s23] =	ssyncadd.s32 @!p1 $0xFFFFFFF0  }
0x4b: {  	[tilespmem:s26], [sflag:$0x8] =	stream.linear.gather @!p1 [hbm4b:s20+s25], $0x10, $0x38;
	[tilespmem:$0xAE80] =	vst v63  }
0x4c: {  	_ =	swait.ge @!p1 [sflag:s23], $0x10  }
0x4d: {  	s30 =	simm.s32 @!p1 $0x10;
	[sflag:s23] =	ssyncset.done @!p1 $0x0  }
0x4e: {  	s31 =	simm.s32 @!p1 $0xA000;
	s0 =	simm.s32 @!p1 $0x2;
	[sflag:s23] =	ssyncadd.s32 @!p1 $0xFFFFFFF0  }
0x4f: {  	[tilespmem:s31], [sflag:$0x2] =	stream.indirect.gather @!p1 [hbm4b:s2+s30], $0x80, s24, s30, $0xb8;
	[tilespmem:$0xAE80] =	vst v63  }
0x50: {  	_ =	swait.ge @!p1 [sflag:s0], $0x800  }
0x51: {  	[sflag:s0] =	ssyncset.done @!p1 $0x0  }
0x52: {  	[sflag:s0] =	ssyncadd.s32 @!p1 $0xFFFFF800  }
0x53: {  	[spmem:s1] =	stream.indirect.scatter.add.f32 @!p1 [tilespmem:s31], [sflag:$0x8], $0x80, s26, s30, $0xb8;
	[tilespmem:$0xAE80] =	vst v63  }
0x54: {  	_ =	swait.ge @!p1 [sflag:s23], $0x800  }
0x55: {  	[sflag:s23] =	ssyncset.done @!p1 $0x0  }
0x56: {  	[sflag:s23] =	ssyncadd.s32 @!p1 $0xFFFFF800  }
0x57: {  	_ =	swait.ge [sflag:s19], $0x3400  }
0x58: {  	[sflag:s19] =	ssyncset.done $0x0  }
0x59: {  	[sflag:s19] =	ssyncadd.s32 $0xFFFFCC00  }
0x5a: {  	[spmem:s1] =	stream.indirect.scatter.add.f32 [tilespmem:s7], [sflag:$0x1], $0x80, s3, s5, $0xb8;
	[tilespmem:$0xAE80] =	vst v63  }
0x5b: {  	_ =	swait.ge [sflag:s17], $0x3400  }
0x5c: {  	[sflag:s17] =	ssyncset.done $0x0  }
0x5d: {  	[sflag:s17] =	ssyncadd.s32 $0xFFFFCC00  }
0x5e: {  	[spmem:s1] =	stream.indirect.scatter.add.f32 [tilespmem:s9], [sflag:$0x1], $0x80, s18, s5, $0xb8;
	[tilespmem:$0xAE80] =	vst v63  }
0x5f: {  	_ =	swait.ge [sflag:s14], $0x3400  }
0x60: {  	[sflag:s14] =	ssyncset.done $0x0  }
0x61: {  	[sflag:s14] =	ssyncadd.s32 $0xFFFFCC00  }
0x62: {  	[spmem:s1] =	stream.indirect.scatter.add.f32 [tilespmem:s8], [sflag:$0x1], $0x80, s15, s5, $0xb8;
	[tilespmem:$0xAE80] =	vst v63  }
0x63: {  	_ =	swait.ge [sflag:s12], $0x3400  }
0x64: {  	[sflag:s12] =	ssyncset.done $0x0  }
0x65: {  	[sflag:s12] =	ssyncadd.s32 $0xFFFFCC00  }
0x66: {  	_ =	swait.ge [sflag:s12], $0x3400  }
0x67: {  	[sflag:s12] =	ssyncset.done $0x0  }
0x68: {  	[sflag:s12] =	ssyncadd.s32 $0xFFFFCC00  }
0x69: {  	_ =	swait.ge [sflag:s12], $0x3400  }
0x6a: {  	[sflag:s12] =	ssyncset.done $0x0  }
0x6b: {  	[sflag:s12] =	ssyncadd.s32 $0xFFFFCC00  }
0x6c: {  	s0 =	simm.s32 @!p0 $0x1C08;
	s30 =	simm.s32 @!p0 $0x8;
	[bflag:$0x0] =	sbarrier.arrive $0xFFFF  }
0x6d: {  	[hbm:s6], [sflag:s0] =	dma.local @!p0 [spmem:s13], $0x400  }
0x6e: {  	_ =	swait.ge @!p0 [sflag:s30], $0x400  }
0x6f: {  	[sflag:s30] =	ssyncset.done @!p0 $0x0  }
0x70: {  	s0 =	rddreg [dreg:$0x6];
	[sflag:s30] =	ssyncadd.s32 @!p0 $0xFFFFFC00  }
0x71: {  	[tilespmem:s4], [sflag:$0x3] =	stream.linear.gather [hbm4b:s0+s4], $0x138, $0x38;
	[tilespmem:$0xAE80] =	vst v63  }
0x72: {  	s31 =	rddreg [dreg:$0x7]  }
0x73: {  	[tilespmem:s3], [sflag:$0x4] =	stream.linear.gather [hbm4b:s31+s4], $0x138, $0x38;
	[tilespmem:$0xAE80] =	vst v63  }
0x74: {  	[tilespmem:$0xAA70] =	vst v0  }
0x75: {  	[tilespmem:$0xAA60] =	vst v0  }
0x76: {  	[tilespmem:$0xAA50] =	vst v0  }
0x77: {  	[tilespmem:$0xAA40] =	vst v0  }
0x78: {  	[tilespmem:$0xAA30] =	vst v0  }
0x79: {  	[tilespmem:$0xAA20] =	vst v0  }
0x7a: {  	[tilespmem:$0xAA10] =	vst v0  }
0x7b: {  	[tilespmem:$0xAA00] =	vst v0  }
0x7c: {  	[tilespmem:$0xA9F0] =	vst v0  }
0x7d: {  	[tilespmem:$0xA9E0] =	vst v0  }
0x7e: {  	[tilespmem:$0xA9D0] =	vst v0  }
0x7f: {  	[tilespmem:$0xA9C0] =	vst v0  }
0x80: {  	[tilespmem:$0xA9B0] =	vst v0  }
0x81: {  	[tilespmem:$0xA9A0] =	vst v0  }
0x82: {  	[tilespmem:$0xA990] =	vst v0  }
0x83: {  	[tilespmem:$0xA980] =	vst v0  }
0x84: {  	[tilespmem:$0xA970] =	vst v0  }
0x85: {  	[tilespmem:$0xA960] =	vst v0  }
0x86: {  	[tilespmem:$0xA950] =	vst v0  }
0x87: {  	[tilespmem:$0xA940] =	vst v0  }
0x88: {  	[tilespmem:$0xA930] =	vst v0  }
0x89: {  	[tilespmem:$0xA920] =	vst v0  }
0x8a: {  	[tilespmem:$0xA910] =	vst v0  }
0x8b: {  	[tilespmem:$0xA900] =	vst v0  }
0x8c: {  	[tilespmem:$0xA8F0] =	vst v0  }
0x8d: {  	[tilespmem:$0xA8E0] =	vst v0  }
0x8e: {  	[tilespmem:$0xA8D0] =	vst v0  }
0x8f: {  	[tilespmem:$0xA8C0] =	vst v0  }
0x90: {  	[tilespmem:$0xA8B0] =	vst v0  }
0x91: {  	[tilespmem:$0xA8A0] =	vst v0  }
0x92: {  	[tilespmem:$0xA890] =	vst v0  }
0x93: {  	[tilespmem:$0xA880] =	vst v0  }
0x94: {  	[tilespmem:$0xA870] =	vst v0  }
0x95: {  	[tilespmem:$0xA860] =	vst v0  }
0x96: {  	[tilespmem:$0xA850] =	vst v0  }
0x97: {  	[tilespmem:$0xA840] =	vst v0  }
0x98: {  	[tilespmem:$0xA830] =	vst v0  }
0x99: {  	[tilespmem:$0xA820] =	vst v0  }
0x9a: {  	[tilespmem:$0xA800] =	vst v0  }
0x9b: {  	s31 =	rddreg [dreg:$0x8];
	[tilespmem:$0xA810] =	vst v0  }
0x9c: {  	[spmem:s31] =	stream.linear.scatter [tilespmem:s10], [sflag:$0x8], $0x280, $0x38;
	[tilespmem:$0xAE80] =	vst v63  }
0x9d: {  	_ =	swait.ge [sflag:s11], $0x280  }
0x9e: {  	[sflag:s11] =	ssyncset.done $0x0  }
0x9f: {  	[sflag:s11] =	ssyncadd.s32 $0xFFFFFD80  }
0xa0: {  	_ =	swait.ge [sflag:s16], $0x138  }
0xa1: {  	[sflag:s16] =	ssyncset.done $0x0  }
0xa2: {  	[sflag:s16] =	ssyncadd.s32 $0xFFFFFEC8  }
0xa3: {  	[tilespmem:s7], [sflag:$0x5] =	stream.indirect.gather [hbm4b:s2+s5], $0x80, s4, s5, $0xb8;
	[tilespmem:$0xAE80] =	vst v63  }
0xa4: {  	_ = 	snop  }
0xa5: {  	[tilespmem:s9], [sflag:$0x6] =	stream.indirect.gather [hbm4b:s2+s5], $0x80, s5, s5, $0xb8;
	[tilespmem:$0xAE80] =	vst v63  }
0xa6: {  	_ = 	snop  }
0xa7: {  	[tilespmem:s8], [sflag:$0x7] =	stream.indirect.gather [hbm4b:s2+s5], $0x80, s21, s5, $0xb8;
	[tilespmem:$0xAE80] =	vst v63  }
0xa8: {  	s28 =	sadd.s32 $0xFFFFFFFF, s28;
	_ =	swait.ge [sflag:s22], $0x138  }
0xa9: {  	p2 =	sne.s32 s28, $0x0;
	[sflag:s22] =	ssyncset.done $0x0  }
.Ltmp1:
0xaa: {  	[sflag:s22] =	ssyncadd.s32 $0xFFFFFEC8;
	(pc) =	sbr.rel @p2 .LBB2_2-.Ltmp1, $4  }
0xab: {  	[bflag:$0x0] =	sbarrier.arrive $0xFFFF  }
0xac: {  	s0 =	rddreg [dreg:$0x9]  }
0xad: {  	[tilespmem:s24], [sflag:$0x8] =	stream.linear.gather @!p1 [hbm4b:s0+s25], $0x10, $0x38;
	[tilespmem:$0xAE80] =	vst v63  }
0xae: {  	s26 =	smov.u32 s29;
	_ =	swait.ge @!p1 [sflag:s23], $0x10  }
.LBB2_3:
0xaf: {  	[sflag:s23] =	ssyncset.done @!p1 $0x0  }
0xb0: {  	[sflag:s23] =	ssyncadd.s32 @!p1 $0xFFFFFFF0  }
0xb1: {  	[tilespmem:s26], [sflag:$0x8] =	stream.linear.gather @!p1 [hbm4b:s20+s25], $0x10, $0x38;
	[tilespmem:$0xAE80] =	vst v63  }
0xb2: {  	_ =	swait.ge @!p1 [sflag:s23], $0x10  }
0xb3: {  	s0 =	simm.s32 @!p1 $0x10;
	[sflag:s23] =	ssyncset.done @!p1 $0x0  }
0xb4: {  	s4 =	simm.s32 @!p1 $0xA000;
	s10 =	simm.s32 @!p1 $0x2;
	[sflag:s23] =	ssyncadd.s32 @!p1 $0xFFFFFFF0  }
0xb5: {  	[tilespmem:s4], [sflag:$0x2] =	stream.indirect.gather @!p1 [hbm4b:s2+s0], $0x80, s24, s0, $0xb8;
	[tilespmem:$0xAE80] =	vst v63  }
0xb6: {  	_ =	swait.ge @!p1 [sflag:s10], $0x800  }
0xb7: {  	[sflag:s10] =	ssyncset.done @!p1 $0x0  }
0xb8: {  	[sflag:s10] =	ssyncadd.s32 @!p1 $0xFFFFF800  }
0xb9: {  	[spmem:s1] =	stream.indirect.scatter.add.f32 @!p1 [tilespmem:s4], [sflag:$0x8], $0x80, s26, s0, $0xb8;
	[tilespmem:$0xAE80] =	vst v63  }
0xba: {  	_ =	swait.ge @!p1 [sflag:s23], $0x800  }
0xbb: {  	[sflag:s23] =	ssyncset.done @!p1 $0x0  }
0xbc: {  	[sflag:s23] =	ssyncadd.s32 @!p1 $0xFFFFF800  }
0xbd: {  	_ =	swait.ge [sflag:s19], $0x3400  }
0xbe: {  	[sflag:s19] =	ssyncset.done $0x0  }
0xbf: {  	[sflag:s19] =	ssyncadd.s32 $0xFFFFCC00  }
0xc0: {  	[spmem:s1] =	stream.indirect.scatter.add.f32 [tilespmem:s7], [sflag:$0x1], $0x80, s3, s5, $0xb8;
	[tilespmem:$0xAE80] =	vst v63  }
0xc1: {  	_ =	swait.ge [sflag:s17], $0x3400  }
0xc2: {  	[sflag:s17] =	ssyncset.done $0x0  }
0xc3: {  	[sflag:s17] =	ssyncadd.s32 $0xFFFFCC00  }
0xc4: {  	[spmem:s1] =	stream.indirect.scatter.add.f32 [tilespmem:s9], [sflag:$0x1], $0x80, s18, s5, $0xb8;
	[tilespmem:$0xAE80] =	vst v63  }
0xc5: {  	_ =	swait.ge [sflag:s14], $0x3400  }
0xc6: {  	[sflag:s14] =	ssyncset.done $0x0  }
0xc7: {  	[sflag:s14] =	ssyncadd.s32 $0xFFFFCC00  }
0xc8: {  	[spmem:s1] =	stream.indirect.scatter.add.f32 [tilespmem:s8], [sflag:$0x1], $0x80, s15, s5, $0xb8;
	[tilespmem:$0xAE80] =	vst v63  }
0xc9: {  	_ =	swait.ge [sflag:s12], $0x3400  }
0xca: {  	[sflag:s12] =	ssyncset.done $0x0  }
0xcb: {  	[sflag:s12] =	ssyncadd.s32 $0xFFFFCC00  }
0xcc: {  	_ =	swait.ge [sflag:s12], $0x3400  }
0xcd: {  	[sflag:s12] =	ssyncset.done $0x0  }
0xce: {  	[sflag:s12] =	ssyncadd.s32 $0xFFFFCC00  }
0xcf: {  	_ =	swait.ge [sflag:s12], $0x3400  }
0xd0: {  	[sflag:s12] =	ssyncset.done $0x0  }
0xd1: {  	[sflag:s12] =	ssyncadd.s32 $0xFFFFCC00  }
0xd2: {  	s0 =	simm.s32 @!p0 $0x1C08;
	s1 =	simm.s32 @!p0 $0x8;
	[bflag:$0x0] =	sbarrier.arrive $0xFFFF  }
0xd3: {  	[hbm:s6], [sflag:s0] =	dma.local @!p0 [spmem:s13], $0x400  }
0xd4: {  	_ =	swait.ge @!p0 [sflag:s1], $0x400  }
0xd5: {  	[sflag:s1] =	ssyncset.done @!p0 $0x0  }
0xd6: {  	[sflag:s1] =	ssyncadd.s32 @!p0 $0xFFFFFC00  }
0xd7: {  	_ =	sfence.sel $0x180000  }
0xd8: {  	[bflag:$0x0] =	sbarrier.arrive $0xFFFF  }
0xd9: {  	_ =	strace $0x90000047  }
0xda: {  	[bflag:$0x2] =	sbarrier.arrive $0xFFFF  }
0xdb: {  	s0 =	rddreg [dreg:$0x5]  }
0xdc: {  	s0 =	sadd.s32 @!p0 $0x100000, s0  }
0xdd: {  	[sflag:s0] =	ssyncadd.tile.s32 @!p0 $0x1;
	_ =	shalt  }
.LBB2_1:
.Ltmp2:
0xde: {  	(pc) =	sbr.rel .LBB2_3-.Ltmp2, $2  }
0xdf: {  	_ =	sdelay $0x2  }
0xe0: {  	s26 =	simm.s32 @!p1 $0x9F80  }
.Lfunc_end2:
_tile_overlayer_lowered:
.L_overlay_start_2:
0xe1: {  	(tag) =	ssettag $0x2  }
0xe2: {  	s0 =	rddreg [dreg:$0x0];
	s2 =	stileid.u32  }
0xe3: {  	s1 =	rddreg [dreg:$0x1];
	p0 =	sne.s32 s2, $0x0  }
0xe4: {  	s3 =	rddreg [dreg:$0x2];
	[bflag:$0x3] =	sbarrier.arrive $0xFFFF;
	s2 =	simm.s32 @!p0 $0x1C08  }
0xe5: {  	[timem:s3], [sflag:s2] =	dma.local @!p0 [hbm:s0], s1  }
0xe6: {  	s0 =	simm.s32 @!p0 $0x8  }
0xe7: {  	_ =	swait.ge @!p0 [sflag:s0], s1  }
0xe8: {  	s1 =	ssub.s32 @!p0 $0x0, s1;
	[sflag:s0] =	ssyncset.done @!p0 $0x0  }
0xe9: {  	[sflag:s0] =	ssyncadd.s32 @!p0 s1  }
0xea: {  	[bflag:$0x3] =	sbarrier.arrive $0xFFFF  }
0xeb: {  	_ =	shalt  }

</sc_bundles>
